<compile_context>
chip_gen: v7x
topology: tpu7x:2x2x1
jax: 0.10.2.dev20260603
libtpu: 0.0.44.dev20260713+nightly
codegen_flags: <defaults>
</compile_context>

<pallas_src>
import jax
import jax.numpy as jnp
import numpy as np
from jax.experimental import pallas as pl
from jax.experimental.pallas import tpu as pltpu

N = 2
A = 1
H = 100
W = 200
C = 80
L = 256
HWA = H * W * A
PRE_NMS_THRESH = 0.05
PRE_NMS_TOP_N = 1000
NMS_THRESH = 0.6
POST_TOP_N = 100
IMG_H, IMG_W = 800.0, 1333.0
_MAXR = float(np.log(1000.0 / 16.0))
_PAD = 1024


def _score_kernel(x_ref, c_ref, o_ref):
    x = x_ref[...][:, :C]
    s = jax.nn.sigmoid(x)
    cent = jax.nn.sigmoid(c_ref[...])
    w = s * cent
    o_ref[...] = jnp.where(s > PRE_NMS_THRESH, w, -1.0)


def _nms_kernel(a_ref, d_ref, tv_ref, lab_ref, bb_ref, vb_ref, keep_ref):
    a = a_ref[0]
    d = d_ref[0]
    ax1, ay1 = a[0:1, :], a[1:2, :]
    ax2, ay2 = a[2:3, :], a[3:4, :]
    dx, dy = d[0:1, :], d[1:2, :]
    dw, dh = d[2:3, :], d[3:4, :]
    wa = ax2 - ax1
    ha = ay2 - ay1
    cxa = (ax1 + ax2) * 0.5
    cya = (ay1 + ay2) * 0.5
    dw = jnp.clip(dw, -_MAXR, _MAXR)
    dh = jnp.clip(dh, -_MAXR, _MAXR)
    cx = cxa + dx * wa
    cy = cya + dy * ha
    bw_ = wa * jnp.exp(dw)
    bh_ = ha * jnp.exp(dh)
    x1 = jnp.clip(cx - bw_ * 0.5, 0.0, IMG_W)
    y1 = jnp.clip(cy - bh_ * 0.5, 0.0, IMG_H)
    x2 = jnp.clip(cx + bw_ * 0.5, 0.0, IMG_W)
    y2 = jnp.clip(cy + bh_ * 0.5, 0.0, IMG_H)
    bb_ref[0, 0:1, :] = x1
    bb_ref[0, 1:2, :] = y1
    bb_ref[0, 2:3, :] = x2
    bb_ref[0, 3:4, :] = y2

    tv = tv_ref[0]
    lab = lab_ref[0]
    bw = x2 - x1
    bh = y2 - y1
    vb = (tv > 0.0) & (bw > 0.0) & (bh > 0.0)
    vbf = vb.astype(jnp.float32)
    vb_ref[0] = vbf
    area = jnp.clip(bw, 0.0) * jnp.clip(bh, 0.0)
    idx = jax.lax.broadcasted_iota(jnp.int32, (1, _PAD), 1)

    def body(i, keep):
        m = (idx == i).astype(jnp.float32)
        xi1 = jnp.sum(x1 * m)
        yi1 = jnp.sum(y1 * m)
        xi2 = jnp.sum(x2 * m)
        yi2 = jnp.sum(y2 * m)
        ai = jnp.sum(area * m)
        li = jnp.sum(lab * m)
        gi = jnp.sum(keep * vbf * m)
        ix1 = jnp.maximum(x1, xi1)
        iy1 = jnp.maximum(y1, yi1)
        ix2 = jnp.minimum(x2, xi2)
        iy2 = jnp.minimum(y2, yi2)
        inter = jnp.clip(ix2 - ix1, 0.0) * jnp.clip(iy2 - iy1, 0.0)
        union = area + ai - inter
        iou = inter / jnp.maximum(union, 1e-9)
        sup = (iou > NMS_THRESH) & (idx > i) & vb & (lab == li) & (gi > 0.0)
        return jnp.where(sup, 0.0, keep)

    keep = jax.lax.fori_loop(0, PRE_NMS_TOP_N, body,
                             jnp.ones((1, _PAD), jnp.float32))
    keep_ref[0] = keep


def kernel(box_regression, centerness, anchors, box_cls, dot_product_logits):
    del box_cls
    R = N * HWA
    BR = 2000
    dpl2 = dot_product_logits.reshape(R, L)
    cent2 = centerness.reshape(R, 1)
    masked = pl.pallas_call(
        _score_kernel,
        grid=(R // BR,),
        in_specs=[
            pl.BlockSpec((BR, 128), lambda i: (i, 0)),
            pl.BlockSpec((BR, 1), lambda i: (i, 0)),
        ],
        out_specs=pl.BlockSpec((BR, C), lambda i: (i, 0)),
        out_shape=jax.ShapeDtypeStruct((R, C), jnp.float32),
    )(dpl2, cent2)

    masked = masked.reshape(N, HWA * C)
    top_vals, top_idx = jax.lax.top_k(masked, PRE_NMS_TOP_N)
    loc = top_idx // C
    labels = top_idx % C + 1

    box_reg = jnp.transpose(box_regression, (0, 2, 3, 1)).reshape(N, HWA, 4)
    deltas = jnp.take_along_axis(box_reg, loc[:, :, None], axis=1)
    anc = anchors[loc]

    pad = _PAD - PRE_NMS_TOP_N
    anc_t = jnp.pad(jnp.transpose(anc, (0, 2, 1)), ((0, 0), (0, 0), (0, pad)))
    del_t = jnp.pad(jnp.transpose(deltas, (0, 2, 1)), ((0, 0), (0, 0), (0, pad)))
    tv_p = jnp.pad(top_vals[:, None, :], ((0, 0), (0, 0), (0, pad)),
                   constant_values=-1.0)
    lab_p = jnp.pad(labels.astype(jnp.float32)[:, None, :],
                    ((0, 0), (0, 0), (0, pad)))

    bb_t, vbf, keepf = pl.pallas_call(
        _nms_kernel,
        grid=(N,),
        in_specs=[
            pl.BlockSpec((1, 4, _PAD), lambda n: (n, 0, 0)),
            pl.BlockSpec((1, 4, _PAD), lambda n: (n, 0, 0)),
            pl.BlockSpec((1, 1, _PAD), lambda n: (n, 0, 0)),
            pl.BlockSpec((1, 1, _PAD), lambda n: (n, 0, 0)),
        ],
        out_specs=[
            pl.BlockSpec((1, 4, _PAD), lambda n: (n, 0, 0)),
            pl.BlockSpec((1, 1, _PAD), lambda n: (n, 0, 0)),
            pl.BlockSpec((1, 1, _PAD), lambda n: (n, 0, 0)),
        ],
        out_shape=[
            jax.ShapeDtypeStruct((N, 4, _PAD), jnp.float32),
            jax.ShapeDtypeStruct((N, 1, _PAD), jnp.float32),
            jax.ShapeDtypeStruct((N, 1, _PAD), jnp.float32),
        ],
    )(anc_t, del_t, tv_p, lab_p)

    n = PRE_NMS_TOP_N
    bboxes = jnp.transpose(bb_t[:, :, :n], (0, 2, 1))
    valid = vbf[:, 0, :n] > 0.0
    keep = keepf[:, 0, :n] > 0.0

    scores = jnp.sqrt(jnp.maximum(top_vals, 1e-12))
    s = jnp.where(valid, scores, -1.0)
    order = jnp.argsort(-s, axis=-1)
    sb = jnp.take_along_axis(s, order, axis=-1)
    bb = jnp.take_along_axis(bboxes, order[:, :, None], axis=1)
    lb = jnp.take_along_axis(labels, order, axis=-1)
    kp = jnp.take_along_axis(keep & valid, order, axis=-1)
    final_s = jnp.where(kp, sb, -1.0)
    out_s, out_i = jax.lax.top_k(final_s, POST_TOP_N)
    out_b = jnp.take_along_axis(bb, out_i[:, :, None], axis=1)
    out_l = jnp.where(out_s > 0.0, jnp.take_along_axis(lb, out_i, axis=-1), 0)
    out_s = jnp.clip(out_s, 0.0)
    return out_b, out_s, out_l

# --- scband reference (transcript-rebuilt; emitter-appended) ---
"""Pipeline reference for scband-atsspost-processor-66434554135141 (READ-ONLY COPY).

The authoritative reference and input builder live on the scoring server;
editing this copy changes nothing except your own understanding.
"""

import jax, jax.numpy as jnp
import numpy as np

N = 2
A = 1
H = 100
W = 200
C = 80
L = 256
HWA = H * W * A
PRE_NMS_THRESH = 0.05
PRE_NMS_TOP_N = 1000
NMS_THRESH = 0.6
POST_TOP_N = 100
IMG_H, IMG_W = 800.0, 1333.0


def setup_inputs(seed: int = 0):
    key = jax.random.key(seed)
    k1, k2, k3, k4 = jax.random.split(key, 4)
    box_regression = jax.random.normal(k1, (N, 4 * A, H, W), jnp.float32) * 0.5
    centerness = jax.random.normal(k2, (N, 1 * A, H, W), jnp.float32)
    ys, xs = jnp.meshgrid(jnp.linspace(16.0, IMG_H - 16.0, H), jnp.linspace(16.0, IMG_W - 16.0, W), indexing='ij')
    cx = xs.reshape(-1)
    cy = ys.reshape(-1)
    s = 32.0
    anchors = jnp.stack([cx - s, cy - s, cx + s, cy + s], axis=-1).astype(jnp.float32)
    box_cls = jax.random.normal(k3, (N, C * A, H, W), jnp.float32)
    dot_product_logits = jax.random.normal(k4, (N, HWA, L), jnp.float32)
    return {"box_regression": box_regression, "centerness": centerness, "anchors": anchors, "box_cls": box_cls, "dot_product_logits": dot_product_logits}


def permute_and_flatten(layer, n, a, c, h, w):
    layer = layer.reshape(n, a, c, h, w)
    layer = jnp.transpose(layer, (0, 3, 4, 1, 2))
    return layer.reshape(n, -1, c)


def delta2bbox(anchors, deltas):
    wa = anchors[:, 2] - anchors[:, 0]
    ha = anchors[:, 3] - anchors[:, 1]
    cxa = (anchors[:, 0] + anchors[:, 2]) * 0.5
    cya = (anchors[:, 1] + anchors[:, 3]) * 0.5
    dx, dy, dw, dh = deltas[:, 0], deltas[:, 1], deltas[:, 2], deltas[:, 3]
    maxr = float(np.log(1000.0 / 16.0))
    dw = jnp.clip(dw, -maxr, maxr)
    dh = jnp.clip(dh, -maxr, maxr)
    cx = cxa + dx * wa
    cy = cya + dy * ha
    w = wa * jnp.exp(dw)
    h = ha * jnp.exp(dh)
    x1 = jnp.clip(cx - w * 0.5, 0.0, IMG_W)
    y1 = jnp.clip(cy - h * 0.5, 0.0, IMG_H)
    x2 = jnp.clip(cx + w * 0.5, 0.0, IMG_W)
    y2 = jnp.clip(cy + h * 0.5, 0.0, IMG_H)
    return jnp.stack([x1, y1, x2, y2], axis=-1)


def pairwise_iou(b):
    x1 = jnp.maximum(b[:, None, 0], b[None, :, 0])
    y1 = jnp.maximum(b[:, None, 1], b[None, :, 1])
    x2 = jnp.minimum(b[:, None, 2], b[None, :, 2])
    y2 = jnp.minimum(b[:, None, 3], b[None, :, 3])
    inter = jnp.clip(x2 - x1, 0.0) * jnp.clip(y2 - y1, 0.0)
    area = jnp.clip(b[:, 2] - b[:, 0], 0.0) * jnp.clip(b[:, 3] - b[:, 1], 0.0)
    union = area[:, None] + area[None, :] - inter
    return inter / jnp.maximum(union, 1e-9)


def single_image(box_cls_w, box_reg, candidate, anchors):
    flat = box_cls_w.reshape(-1)
    masked = jnp.where(candidate.reshape(-1), flat, -1.0)
    top_vals, top_idx = jax.lax.top_k(masked, PRE_NMS_TOP_N)
    valid = top_vals > 0.0
    loc = top_idx // C
    labels = top_idx % C + 1
    bboxes = delta2bbox(anchors[loc], box_reg[loc])
    scores = jnp.sqrt(jnp.maximum(top_vals, 1e-12))
    bw = bboxes[:, 2] - bboxes[:, 0]
    bh = bboxes[:, 3] - bboxes[:, 1]
    valid = valid & (bw > 0.0) & (bh > 0.0)
    max_coord = max(IMG_W, IMG_H) + 1.0
    n = PRE_NMS_TOP_N
    off = labels.astype(jnp.float32) * max_coord
    off = jnp.where(valid, off, (jnp.arange(n, dtype=jnp.float32) + C + 10.0) * max_coord)
    nms_boxes = bboxes + off[:, None]
    s = jnp.where(valid, scores, -1.0)
    order = jnp.argsort(-s)
    nb = nms_boxes[order]
    sb = s[order]
    bb = bboxes[order]
    lb = labels[order]
    vb = valid[order]
    iou = pairwise_iou(nb)
    idx = jnp.arange(n)
    def body(i, keep):
        suppress = (iou[i] > NMS_THRESH) & (idx > i) & keep[i]
        return keep & (~suppress)
    keep = jax.lax.fori_loop(0, n, body, jnp.ones((n,), bool))
    keep = keep & vb
    final_s = jnp.where(keep, sb, -1.0)
    out_s, out_i = jax.lax.top_k(final_s, POST_TOP_N)
    out_b = bb[out_i]
    out_l = jnp.where(out_s > 0.0, lb[out_i], 0)
    out_s = jnp.clip(out_s, 0.0)
    return out_b, out_s, out_l


def reference(box_regression, centerness, anchors, box_cls, dot_product_logits):
    # box_cls sigmoid is computed in the original but overwritten by grounding scores (ONEHOT agg)
    _ = jax.nn.sigmoid(permute_and_flatten(box_cls, N, A, C, H, W))
    dpl = jax.nn.sigmoid(dot_product_logits)
    scores = dpl[:, :, :C]
    box_reg = permute_and_flatten(box_regression, N, A, 4, H, W)
    candidate = scores > PRE_NMS_THRESH
    cent = jax.nn.sigmoid(permute_and_flatten(centerness, N, A, 1, H, W).reshape(N, -1))
    box_cls_w = scores * cent[:, :, None]
    outs = [single_image(box_cls_w[i], box_reg[i], candidate[i], anchors) for i in range(N)]
    bboxes = jnp.stack([o[0] for o in outs])
    sc = jnp.stack([o[1] for o in outs])
    lb = jnp.stack([o[2] for o in outs])
    return bboxes, sc, lb

if __name__ == "__main__":
    import jax
    _d = setup_inputs()
    print(jax.jit(kernel)(*tuple(_d.values())))

</pallas_src>

<mosaic_0001>
module attributes {stable_mosaic.version = 14 : i64} {
  func.func @_score_kernel(%arg0: i32, %arg1: memref<2000x128xf32, #tpu.memory_space<vmem>>, %arg2: memref<2000x1xf32, #tpu.memory_space<vmem>>, %arg3: memref<2000x80xf32, #tpu.memory_space<vmem>>) attributes {dimension_semantics = [#tpu.dimension_semantics<arbitrary>], iteration_bounds = array<i64: 20>, scalar_prefetch = 0 : i64, scratch_operands = 0 : i64, tpu.core_type = #tpu.core_type<tc>, window_params = [{transform_indices = @transform_0, window_bounds = array<i64: 2000, 128>}, {transform_indices = @transform_1, window_bounds = array<i64: 2000, 1>}, {transform_indices = @transform_2, window_bounds = array<i64: 2000, 80>}]} {
    %get3A = arith.constant 0 : index
    %get3A_0 = arith.constant 0 : index
    %get3A_1 = vector.load %arg1[%get3A, %get3A_0] : memref<2000x128xf32, #tpu.memory_space<vmem>>, vector<2000x128xf32>
    %slice3A = vector.extract_strided_slice %get3A_1 {offsets = [0, 0], sizes = [2000, 80], strides = [1, 1]} : vector<2000x128xf32> to vector<2000x80xf32>
    %logistic3A = arith.negf %slice3A : vector<2000x80xf32>
    %logistic3A_2 = math.exp %logistic3A : vector<2000x80xf32>
    %logistic3A_3 = arith.constant 1.000000e+00 : f32
    %logistic3A_4 = vector.broadcast %logistic3A_3 : f32 to vector<2000x80xf32>
    %logistic3A_5 = arith.addf %logistic3A_4, %logistic3A_2 : vector<2000x80xf32>
    %logistic3A_6 = arith.divf %logistic3A_4, %logistic3A_5 : vector<2000x80xf32>
    %get3A_7 = arith.constant 0 : index
    %get3A_8 = arith.constant 0 : index
    %get3A_9 = vector.load %arg2[%get3A_7, %get3A_8] : memref<2000x1xf32, #tpu.memory_space<vmem>>, vector<2000x1xf32>
    %logistic3A_10 = arith.negf %get3A_9 : vector<2000x1xf32>
    %logistic3A_11 = math.exp %logistic3A_10 : vector<2000x1xf32>
    %logistic3A_12 = arith.constant 1.000000e+00 : f32
    %logistic3A_13 = vector.broadcast %logistic3A_12 : f32 to vector<2000x1xf32>
    %logistic3A_14 = arith.addf %logistic3A_13, %logistic3A_11 : vector<2000x1xf32>
    %logistic3A_15 = arith.divf %logistic3A_13, %logistic3A_14 : vector<2000x1xf32>
    %mul3A = vector.broadcast %logistic3A_15 : vector<2000x1xf32> to vector<2000x80xf32>
    %mul3A_16 = arith.mulf %logistic3A_6, %mul3A : vector<2000x80xf32>
    %gt3A = arith.constant 5.000000e-02 : f32
    %gt3A_17 = vector.broadcast %gt3A : f32 to vector<2000x80xf32>
    %gt3A_18 = arith.cmpf ogt, %logistic3A_6, %gt3A_17 : vector<2000x80xf32>
    %jit3A = arith.constant -1.000000e+00 : f32
    %broadcast_in_dim3A = vector.broadcast %jit3A : f32 to vector<2000x80xf32>
    %select_n3A = arith.select %gt3A_18, %mul3A_16, %broadcast_in_dim3A : vector<2000x80xi1>, vector<2000x80xf32>
    %swap3A = arith.constant 0 : index
    %swap3A_19 = arith.constant 0 : index
    %swap3A_20 = vector.load %arg3[%swap3A, %swap3A_19] : memref<2000x80xf32, #tpu.memory_space<vmem>>, vector<2000x80xf32>
    tpu.vector_store %arg3[%swap3A, %swap3A_19], %select_n3A {strides = array<i32>} : memref<2000x80xf32, #tpu.memory_space<vmem>>, vector<2000x80xf32>,
    return
  }
  func.func @transform_0(%arg0: i32) -> (i32, i32) {
    %c0_i32 = arith.constant 0 : i32
    %c0_i32_0 = arith.constant 0 : i32
    return %arg0, %c0_i32 : i32, i32
  }
  func.func @transform_1(%arg0: i32) -> (i32, i32) {
    %c0_i32 = arith.constant 0 : i32
    %c0_i32_0 = arith.constant 0 : i32
    return %arg0, %c0_i32 : i32, i32
  }
  func.func @transform_2(%arg0: i32) -> (i32, i32) {
    %c0_i32 = arith.constant 0 : i32
    %c0_i32_0 = arith.constant 0 : i32
    return %arg0, %c0_i32 : i32, i32
  }
}

module attributes {stable_mosaic.version = 14 : i64} {
  func.func @_nms_kernel(%arg0: i32, %arg1: memref<1x4x1024xf32, #tpu.memory_space<vmem>>, %arg2: memref<1x4x1024xf32, #tpu.memory_space<vmem>>, %arg3: memref<1x1x1024xf32, #tpu.memory_space<vmem>>, %arg4: memref<1x1x1024xf32, #tpu.memory_space<vmem>>, %arg5: memref<1x4x1024xf32, #tpu.memory_space<vmem>>, %arg6: memref<1x1x1024xf32, #tpu.memory_space<vmem>>, %arg7: memref<1x1x1024xf32, #tpu.memory_space<vmem>>) attributes {dimension_semantics = [#tpu.dimension_semantics<arbitrary>], iteration_bounds = array<i64: 2>, scalar_prefetch = 0 : i64, scratch_operands = 0 : i64, tpu.core_type = #tpu.core_type<tc>, window_params = [{transform_indices = @transform_0, window_bounds = array<i64: 1, 4, 1024>}, {transform_indices = @transform_1, window_bounds = array<i64: 1, 4, 1024>}, {transform_indices = @transform_2, window_bounds = array<i64: 1, 1, 1024>}, {transform_indices = @transform_3, window_bounds = array<i64: 1, 1, 1024>}, {transform_indices = @transform_4, window_bounds = array<i64: 1, 4, 1024>}, {transform_indices = @transform_5, window_bounds = array<i64: 1, 1, 1024>}, {transform_indices = @transform_6, window_bounds = array<i64: 1, 1, 1024>}]} {
    %get3A = arith.constant 0 : index
    %get3A_0 = arith.constant 0 : index
    %get3A_1 = arith.constant 0 : index
    %get3A_2 = vector.load %arg1[%get3A, %get3A_0, %get3A_1] : memref<1x4x1024xf32, #tpu.memory_space<vmem>>, vector<1x4x1024xf32>
    %get3A_3 = vector.shape_cast %get3A_2 : vector<1x4x1024xf32> to vector<4x1024xf32>
    %get3A_4 = arith.constant 0 : index
    %get3A_5 = arith.constant 0 : index
    %get3A_6 = arith.constant 0 : index
    %get3A_7 = vector.load %arg2[%get3A_4, %get3A_5, %get3A_6] : memref<1x4x1024xf32, #tpu.memory_space<vmem>>, vector<1x4x1024xf32>
    %get3A_8 = vector.shape_cast %get3A_7 : vector<1x4x1024xf32> to vector<4x1024xf32>
    %slice3A = vector.extract_strided_slice %get3A_3 {offsets = [0, 0], sizes = [1, 1024], strides = [1, 1]} : vector<4x1024xf32> to vector<1x1024xf32>
    %slice3A_9 = vector.extract_strided_slice %get3A_3 {offsets = [1, 0], sizes = [1, 1024], strides = [1, 1]} : vector<4x1024xf32> to vector<1x1024xf32>
    %slice3A_10 = vector.extract_strided_slice %get3A_3 {offsets = [2, 0], sizes = [1, 1024], strides = [1, 1]} : vector<4x1024xf32> to vector<1x1024xf32>
    %slice3A_11 = vector.extract_strided_slice %get3A_3 {offsets = [3, 0], sizes = [1, 1024], strides = [1, 1]} : vector<4x1024xf32> to vector<1x1024xf32>
    %slice3A_12 = vector.extract_strided_slice %get3A_8 {offsets = [0, 0], sizes = [1, 1024], strides = [1, 1]} : vector<4x1024xf32> to vector<1x1024xf32>
    %slice3A_13 = vector.extract_strided_slice %get3A_8 {offsets = [1, 0], sizes = [1, 1024], strides = [1, 1]} : vector<4x1024xf32> to vector<1x1024xf32>
    %slice3A_14 = vector.extract_strided_slice %get3A_8 {offsets = [2, 0], sizes = [1, 1024], strides = [1, 1]} : vector<4x1024xf32> to vector<1x1024xf32>
    %slice3A_15 = vector.extract_strided_slice %get3A_8 {offsets = [3, 0], sizes = [1, 1024], strides = [1, 1]} : vector<4x1024xf32> to vector<1x1024xf32>
    %sub3A = arith.subf %slice3A_10, %slice3A : vector<1x1024xf32>
    %sub3A_16 = arith.subf %slice3A_11, %slice3A_9 : vector<1x1024xf32>
    %add3A = arith.addf %slice3A, %slice3A_10 : vector<1x1024xf32>
    %mul3A = arith.constant 5.000000e-01 : f32
    %mul3A_17 = vector.broadcast %mul3A : f32 to vector<1x1024xf32>
    %mul3A_18 = arith.mulf %add3A, %mul3A_17 : vector<1x1024xf32>
    %add3A_19 = arith.addf %slice3A_9, %slice3A_11 : vector<1x1024xf32>
    %mul3A_20 = arith.constant 5.000000e-01 : f32
    %mul3A_21 = vector.broadcast %mul3A_20 : f32 to vector<1x1024xf32>
    %mul3A_22 = arith.mulf %add3A_19, %mul3A_21 : vector<1x1024xf32>
    %jit3A = arith.constant -4.13516665 : f32
    %jit3A_23 = arith.constant 4.13516665 : f32
    %max3A = vector.broadcast %jit3A : f32 to vector<1x1024xf32>
    %max3A_24 = arith.maximumf %max3A, %slice3A_14 : vector<1x1024xf32>
    %min3A = vector.broadcast %jit3A_23 : f32 to vector<1x1024xf32>
    %min3A_25 = arith.minimumf %min3A, %max3A_24 : vector<1x1024xf32>
    %jit3A_26 = arith.constant -4.13516665 : f32
    %jit3A_27 = arith.constant 4.13516665 : f32
    %max3A_28 = vector.broadcast %jit3A_26 : f32 to vector<1x1024xf32>
    %max3A_29 = arith.maximumf %max3A_28, %slice3A_15 : vector<1x1024xf32>
    %min3A_30 = vector.broadcast %jit3A_27 : f32 to vector<1x1024xf32>
    %min3A_31 = arith.minimumf %min3A_30, %max3A_29 : vector<1x1024xf32>
    %mul3A_32 = arith.mulf %slice3A_12, %sub3A : vector<1x1024xf32>
    %add3A_33 = arith.addf %mul3A_18, %mul3A_32 : vector<1x1024xf32>
    %mul3A_34 = arith.mulf %slice3A_13, %sub3A_16 : vector<1x1024xf32>
    %add3A_35 = arith.addf %mul3A_22, %mul3A_34 : vector<1x1024xf32>
    %exp3A = math.exp %min3A_25 : vector<1x1024xf32>
    %mul3A_36 = arith.mulf %sub3A, %exp3A : vector<1x1024xf32>
    %exp3A_37 = math.exp %min3A_31 : vector<1x1024xf32>
    %mul3A_38 = arith.mulf %sub3A_16, %exp3A_37 : vector<1x1024xf32>
    %mul3A_39 = arith.constant 5.000000e-01 : f32
    %mul3A_40 = vector.broadcast %mul3A_39 : f32 to vector<1x1024xf32>
    %mul3A_41 = arith.mulf %mul3A_36, %mul3A_40 : vector<1x1024xf32>
    %sub3A_42 = arith.subf %add3A_33, %mul3A_41 : vector<1x1024xf32>
    %jit3A_43 = arith.constant 0.000000e+00 : f32
    %jit3A_44 = arith.constant 1.333000e+03 : f32
    %max3A_45 = vector.broadcast %jit3A_43 : f32 to vector<1x1024xf32>
    %max3A_46 = arith.maximumf %max3A_45, %sub3A_42 : vector<1x1024xf32>
    %min3A_47 = vector.broadcast %jit3A_44 : f32 to vector<1x1024xf32>
    %min3A_48 = arith.minimumf %min3A_47, %max3A_46 : vector<1x1024xf32>
    %mul3A_49 = arith.constant 5.000000e-01 : f32
    %mul3A_50 = vector.broadcast %mul3A_49 : f32 to vector<1x1024xf32>
    %mul3A_51 = arith.mulf %mul3A_38, %mul3A_50 : vector<1x1024xf32>
    %sub3A_52 = arith.subf %add3A_35, %mul3A_51 : vector<1x1024xf32>
    %jit3A_53 = arith.constant 0.000000e+00 : f32
    %jit3A_54 = arith.constant 8.000000e+02 : f32
    %max3A_55 = vector.broadcast %jit3A_53 : f32 to vector<1x1024xf32>
    %max3A_56 = arith.maximumf %max3A_55, %sub3A_52 : vector<1x1024xf32>
    %min3A_57 = vector.broadcast %jit3A_54 : f32 to vector<1x1024xf32>
    %min3A_58 = arith.minimumf %min3A_57, %max3A_56 : vector<1x1024xf32>
    %mul3A_59 = arith.constant 5.000000e-01 : f32
    %mul3A_60 = vector.broadcast %mul3A_59 : f32 to vector<1x1024xf32>
    %mul3A_61 = arith.mulf %mul3A_36, %mul3A_60 : vector<1x1024xf32>
    %add3A_62 = arith.addf %add3A_33, %mul3A_61 : vector<1x1024xf32>
    %jit3A_63 = arith.constant 0.000000e+00 : f32
    %jit3A_64 = arith.constant 1.333000e+03 : f32
    %max3A_65 = vector.broadcast %jit3A_63 : f32 to vector<1x1024xf32>
    %max3A_66 = arith.maximumf %max3A_65, %add3A_62 : vector<1x1024xf32>
    %min3A_67 = vector.broadcast %jit3A_64 : f32 to vector<1x1024xf32>
    %min3A_68 = arith.minimumf %min3A_67, %max3A_66 : vector<1x1024xf32>
    %mul3A_69 = arith.constant 5.000000e-01 : f32
    %mul3A_70 = vector.broadcast %mul3A_69 : f32 to vector<1x1024xf32>
    %mul3A_71 = arith.mulf %mul3A_38, %mul3A_70 : vector<1x1024xf32>
    %add3A_72 = arith.addf %add3A_35, %mul3A_71 : vector<1x1024xf32>
    %jit3A_73 = arith.constant 0.000000e+00 : f32
    %jit3A_74 = arith.constant 8.000000e+02 : f32
    %max3A_75 = vector.broadcast %jit3A_73 : f32 to vector<1x1024xf32>
    %max3A_76 = arith.maximumf %max3A_75, %add3A_72 : vector<1x1024xf32>
    %min3A_77 = vector.broadcast %jit3A_74 : f32 to vector<1x1024xf32>
    %min3A_78 = arith.minimumf %min3A_77, %max3A_76 : vector<1x1024xf32>
    %swap3A = arith.constant 0 : index
    %swap3A_79 = arith.constant 0 : index
    %swap3A_80 = arith.constant 0 : index
    %swap3A_81 = vector.load %arg5[%swap3A, %swap3A_79, %swap3A_80] : memref<1x4x1024xf32, #tpu.memory_space<vmem>>, vector<1x1x1024xf32>
    %swap3A_82 = vector.shape_cast %swap3A_81 : vector<1x1x1024xf32> to vector<1x1024xf32>
    %swap3A_83 = vector.shape_cast %min3A_48 : vector<1x1024xf32> to vector<1x1x1024xf32>
    tpu.vector_store %arg5[%swap3A, %swap3A_79, %swap3A_80], %swap3A_83 {strides = array<i32>} : memref<1x4x1024xf32, #tpu.memory_space<vmem>>, vector<1x1x1024xf32>,
    %swap3A_84 = arith.constant 0 : index
    %swap3A_85 = arith.constant 1 : index
    %swap3A_86 = arith.constant 0 : index
    %swap3A_87 = vector.load %arg5[%swap3A_84, %swap3A_85, %swap3A_86] : memref<1x4x1024xf32, #tpu.memory_space<vmem>>, vector<1x1x1024xf32>
    %swap3A_88 = vector.shape_cast %swap3A_87 : vector<1x1x1024xf32> to vector<1x1024xf32>
    %swap3A_89 = vector.shape_cast %min3A_58 : vector<1x1024xf32> to vector<1x1x1024xf32>
    tpu.vector_store %arg5[%swap3A_84, %swap3A_85, %swap3A_86], %swap3A_89 {strides = array<i32>} : memref<1x4x1024xf32, #tpu.memory_space<vmem>>, vector<1x1x1024xf32>,
    %swap3A_90 = arith.constant 0 : index
    %swap3A_91 = arith.constant 2 : index
    %swap3A_92 = arith.constant 0 : index
    %swap3A_93 = vector.load %arg5[%swap3A_90, %swap3A_91, %swap3A_92] : memref<1x4x1024xf32, #tpu.memory_space<vmem>>, vector<1x1x1024xf32>
    %swap3A_94 = vector.shape_cast %swap3A_93 : vector<1x1x1024xf32> to vector<1x1024xf32>
    %swap3A_95 = vector.shape_cast %min3A_68 : vector<1x1024xf32> to vector<1x1x1024xf32>
    tpu.vector_store %arg5[%swap3A_90, %swap3A_91, %swap3A_92], %swap3A_95 {strides = array<i32>} : memref<1x4x1024xf32, #tpu.memory_space<vmem>>, vector<1x1x1024xf32>,
    %swap3A_96 = arith.constant 0 : index
    %swap3A_97 = arith.constant 3 : index
    %swap3A_98 = arith.constant 0 : index
    %swap3A_99 = vector.load %arg5[%swap3A_96, %swap3A_97, %swap3A_98] : memref<1x4x1024xf32, #tpu.memory_space<vmem>>, vector<1x1x1024xf32>
    %swap3A_100 = vector.shape_cast %swap3A_99 : vector<1x1x1024xf32> to vector<1x1024xf32>
    %swap3A_101 = vector.shape_cast %min3A_78 : vector<1x1024xf32> to vector<1x1x1024xf32>
    tpu.vector_store %arg5[%swap3A_96, %swap3A_97, %swap3A_98], %swap3A_101 {strides = array<i32>} : memref<1x4x1024xf32, #tpu.memory_space<vmem>>, vector<1x1x1024xf32>,
    %get3A_102 = arith.constant 0 : index
    %get3A_103 = arith.constant 0 : index
    %get3A_104 = arith.constant 0 : index
    %get3A_105 = vector.load %arg3[%get3A_102, %get3A_103, %get3A_104] : memref<1x1x1024xf32, #tpu.memory_space<vmem>>, vector<1x1x1024xf32>
    %get3A_106 = vector.shape_cast %get3A_105 : vector<1x1x1024xf32> to vector<1x1024xf32>
    %get3A_107 = arith.constant 0 : index
    %get3A_108 = arith.constant 0 : index
    %get3A_109 = arith.constant 0 : index
    %get3A_110 = vector.load %arg4[%get3A_107, %get3A_108, %get3A_109] : memref<1x1x1024xf32, #tpu.memory_space<vmem>>, vector<1x1x1024xf32>
    %get3A_111 = vector.shape_cast %get3A_110 : vector<1x1x1024xf32> to vector<1x1024xf32>
    %sub3A_112 = arith.subf %min3A_68, %min3A_48 : vector<1x1024xf32>
    %sub3A_113 = arith.subf %min3A_78, %min3A_58 : vector<1x1024xf32>
    %gt3A = arith.constant 0.000000e+00 : f32
    %gt3A_114 = vector.broadcast %gt3A : f32 to vector<1x1024xf32>
    %gt3A_115 = arith.cmpf ogt, %get3A_106, %gt3A_114 : vector<1x1024xf32>
    %gt3A_116 = arith.constant 0.000000e+00 : f32
    %gt3A_117 = vector.broadcast %gt3A_116 : f32 to vector<1x1024xf32>
    %gt3A_118 = arith.cmpf ogt, %sub3A_112, %gt3A_117 : vector<1x1024xf32>
    %and3A = arith.andi %gt3A_115, %gt3A_118 : vector<1x1024xi1>
    %gt3A_119 = arith.constant 0.000000e+00 : f32
    %gt3A_120 = vector.broadcast %gt3A_119 : f32 to vector<1x1024xf32>
    %gt3A_121 = arith.cmpf ogt, %sub3A_113, %gt3A_120 : vector<1x1024xf32>
    %and3A_122 = arith.andi %and3A, %gt3A_121 : vector<1x1024xi1>
    %convert_element_type3A = arith.extui %and3A_122 : vector<1x1024xi1> to vector<1x1024xi32>
    %convert_element_type3A_123 = arith.sitofp %convert_element_type3A : vector<1x1024xi32> to vector<1x1024xf32>
    %swap3A_124 = arith.constant 0 : index
    %swap3A_125 = arith.constant 0 : index
    %swap3A_126 = arith.constant 0 : index
    %swap3A_127 = vector.load %arg6[%swap3A_124, %swap3A_125, %swap3A_126] : memref<1x1x1024xf32, #tpu.memory_space<vmem>>, vector<1x1x1024xf32>
    %swap3A_128 = vector.shape_cast %swap3A_127 : vector<1x1x1024xf32> to vector<1x1024xf32>
    %swap3A_129 = vector.shape_cast %convert_element_type3A_123 : vector<1x1024xf32> to vector<1x1x1024xf32>
    tpu.vector_store %arg6[%swap3A_124, %swap3A_125, %swap3A_126], %swap3A_129 {strides = array<i32>} : memref<1x1x1024xf32, #tpu.memory_space<vmem>>, vector<1x1x1024xf32>,
    %jit3A_130 = arith.constant 0.000000e+00 : f32
    %max3A_131 = vector.broadcast %jit3A_130 : f32 to vector<1x1024xf32>
    %max3A_132 = arith.maximumf %max3A_131, %sub3A_112 : vector<1x1024xf32>
    %jit3A_133 = arith.constant 0.000000e+00 : f32
    %max3A_134 = vector.broadcast %jit3A_133 : f32 to vector<1x1024xf32>
    %max3A_135 = arith.maximumf %max3A_134, %sub3A_113 : vector<1x1024xf32>
    %mul3A_136 = arith.mulf %max3A_132, %max3A_135 : vector<1x1024xf32>
    %iota3A = tpu.iota {dimensions = array<i32: 1>} : vector<1x1024xi32>
    %broadcast_in_dim3A = arith.constant 1.000000e+00 : f32
    %broadcast_in_dim3A_137 = vector.broadcast %broadcast_in_dim3A : f32 to vector<1x1024xf32>
    %scan3A = arith.constant 0 : i32
    %scan3A_138 = arith.constant 1000 : i32
    %scan3A_139 = arith.addi %scan3A, %scan3A_138 : i32
    %scan3A_140 = arith.constant 1 : i32
    %scan3A_141 = scf.for %scan3A_149 = %scan3A to %scan3A_139 step %scan3A_140 iter_args(%scan3A_150 = %broadcast_in_dim3A_137) -> (vector<1x1024xf32>)  : i32 {
      %eq3A = vector.broadcast %scan3A_149 : i32 to vector<1x1024xi32>
      %eq3A_151 = arith.cmpi eq, %iota3A, %eq3A : vector<1x1024xi32>
      %convert_element_type3A_152 = arith.extui %eq3A_151 : vector<1x1024xi1> to vector<1x1024xi32>
      %convert_element_type3A_153 = arith.sitofp %convert_element_type3A_152 : vector<1x1024xi32> to vector<1x1024xf32>
      %mul3A_154 = arith.mulf %min3A_48, %convert_element_type3A_153 : vector<1x1024xf32>
      %reduce_sum3A = vector.shape_cast %mul3A_154 : vector<1x1024xf32> to vector<1x1x1024xf32>
      %reduce_sum3A_155 = arith.constant dense<0.000000e+00> : vector<1xf32>
      %reduce_sum3A_156 = vector.multi_reduction <add>, %reduce_sum3A, %reduce_sum3A_155 [1, 2] : vector<1x1x1024xf32> to vector<1xf32>
      %reduce_sum3A_157 = vector.shape_cast %reduce_sum3A_156 : vector<1xf32> to vector<1x1x1xf32>
      %reduce_sum3A_158 = vector.extract %reduce_sum3A_157[0, 0, 0] : f32 from vector<1x1x1xf32>
      %mul3A_159 = arith.mulf %min3A_58, %convert_element_type3A_153 : vector<1x1024xf32>
      %reduce_sum3A_160 = vector.shape_cast %mul3A_159 : vector<1x1024xf32> to vector<1x1x1024xf32>
      %reduce_sum3A_161 = arith.constant dense<0.000000e+00> : vector<1xf32>
      %reduce_sum3A_162 = vector.multi_reduction <add>, %reduce_sum3A_160, %reduce_sum3A_161 [1, 2] : vector<1x1x1024xf32> to vector<1xf32>
      %reduce_sum3A_163 = vector.shape_cast %reduce_sum3A_162 : vector<1xf32> to vector<1x1x1xf32>
      %reduce_sum3A_164 = vector.extract %reduce_sum3A_163[0, 0, 0] : f32 from vector<1x1x1xf32>
      %mul3A_165 = arith.mulf %min3A_68, %convert_element_type3A_153 : vector<1x1024xf32>
      %reduce_sum3A_166 = vector.shape_cast %mul3A_165 : vector<1x1024xf32> to vector<1x1x1024xf32>
      %reduce_sum3A_167 = arith.constant dense<0.000000e+00> : vector<1xf32>
      %reduce_sum3A_168 = vector.multi_reduction <add>, %reduce_sum3A_166, %reduce_sum3A_167 [1, 2] : vector<1x1x1024xf32> to vector<1xf32>
      %reduce_sum3A_169 = vector.shape_cast %reduce_sum3A_168 : vector<1xf32> to vector<1x1x1xf32>
      %reduce_sum3A_170 = vector.extract %reduce_sum3A_169[0, 0, 0] : f32 from vector<1x1x1xf32>
      %mul3A_171 = arith.mulf %min3A_78, %convert_element_type3A_153 : vector<1x1024xf32>
      %reduce_sum3A_172 = vector.shape_cast %mul3A_171 : vector<1x1024xf32> to vector<1x1x1024xf32>
      %reduce_sum3A_173 = arith.constant dense<0.000000e+00> : vector<1xf32>
      %reduce_sum3A_174 = vector.multi_reduction <add>, %reduce_sum3A_172, %reduce_sum3A_173 [1, 2] : vector<1x1x1024xf32> to vector<1xf32>
      %reduce_sum3A_175 = vector.shape_cast %reduce_sum3A_174 : vector<1xf32> to vector<1x1x1xf32>
      %reduce_sum3A_176 = vector.extract %reduce_sum3A_175[0, 0, 0] : f32 from vector<1x1x1xf32>
      %mul3A_177 = arith.mulf %mul3A_136, %convert_element_type3A_153 : vector<1x1024xf32>
      %reduce_sum3A_178 = vector.shape_cast %mul3A_177 : vector<1x1024xf32> to vector<1x1x1024xf32>
      %reduce_sum3A_179 = arith.constant dense<0.000000e+00> : vector<1xf32>
      %reduce_sum3A_180 = vector.multi_reduction <add>, %reduce_sum3A_178, %reduce_sum3A_179 [1, 2] : vector<1x1x1024xf32> to vector<1xf32>
      %reduce_sum3A_181 = vector.shape_cast %reduce_sum3A_180 : vector<1xf32> to vector<1x1x1xf32>
      %reduce_sum3A_182 = vector.extract %reduce_sum3A_181[0, 0, 0] : f32 from vector<1x1x1xf32>
      %mul3A_183 = arith.mulf %get3A_111, %convert_element_type3A_153 : vector<1x1024xf32>
      %reduce_sum3A_184 = vector.shape_cast %mul3A_183 : vector<1x1024xf32> to vector<1x1x1024xf32>
      %reduce_sum3A_185 = arith.constant dense<0.000000e+00> : vector<1xf32>
      %reduce_sum3A_186 = vector.multi_reduction <add>, %reduce_sum3A_184, %reduce_sum3A_185 [1, 2] : vector<1x1x1024xf32> to vector<1xf32>
      %reduce_sum3A_187 = vector.shape_cast %reduce_sum3A_186 : vector<1xf32> to vector<1x1x1xf32>
      %reduce_sum3A_188 = vector.extract %reduce_sum3A_187[0, 0, 0] : f32 from vector<1x1x1xf32>
      %mul3A_189 = arith.mulf %scan3A_150, %convert_element_type3A_123 : vector<1x1024xf32>
      %mul3A_190 = arith.mulf %mul3A_189, %convert_element_type3A_153 : vector<1x1024xf32>
      %reduce_sum3A_191 = vector.shape_cast %mul3A_190 : vector<1x1024xf32> to vector<1x1x1024xf32>
      %reduce_sum3A_192 = arith.constant dense<0.000000e+00> : vector<1xf32>
      %reduce_sum3A_193 = vector.multi_reduction <add>, %reduce_sum3A_191, %reduce_sum3A_192 [1, 2] : vector<1x1x1024xf32> to vector<1xf32>
      %reduce_sum3A_194 = vector.shape_cast %reduce_sum3A_193 : vector<1xf32> to vector<1x1x1xf32>
      %reduce_sum3A_195 = vector.extract %reduce_sum3A_194[0, 0, 0] : f32 from vector<1x1x1xf32>
      %max3A_196 = vector.broadcast %reduce_sum3A_158 : f32 to vector<1x1024xf32>
      %max3A_197 = arith.maximumf %min3A_48, %max3A_196 : vector<1x1024xf32>
      %max3A_198 = vector.broadcast %reduce_sum3A_164 : f32 to vector<1x1024xf32>
      %max3A_199 = arith.maximumf %min3A_58, %max3A_198 : vector<1x1024xf32>
      %min3A_200 = vector.broadcast %reduce_sum3A_170 : f32 to vector<1x1024xf32>
      %min3A_201 = arith.minimumf %min3A_68, %min3A_200 : vector<1x1024xf32>
      %min3A_202 = vector.broadcast %reduce_sum3A_176 : f32 to vector<1x1024xf32>
      %min3A_203 = arith.minimumf %min3A_78, %min3A_202 : vector<1x1024xf32>
      %sub3A_204 = arith.subf %min3A_201, %max3A_197 : vector<1x1024xf32>
      %jit3A_205 = arith.constant 0.000000e+00 : f32
      %max3A_206 = vector.broadcast %jit3A_205 : f32 to vector<1x1024xf32>
      %max3A_207 = arith.maximumf %max3A_206, %sub3A_204 : vector<1x1024xf32>
      %sub3A_208 = arith.subf %min3A_203, %max3A_199 : vector<1x1024xf32>
      %jit3A_209 = arith.constant 0.000000e+00 : f32
      %max3A_210 = vector.broadcast %jit3A_209 : f32 to vector<1x1024xf32>
      %max3A_211 = arith.maximumf %max3A_210, %sub3A_208 : vector<1x1024xf32>
      %mul3A_212 = arith.mulf %max3A_207, %max3A_211 : vector<1x1024xf32>
      %add3A_213 = vector.broadcast %reduce_sum3A_182 : f32 to vector<1x1024xf32>
      %add3A_214 = arith.addf %mul3A_136, %add3A_213 : vector<1x1024xf32>
      %sub3A_215 = arith.subf %add3A_214, %mul3A_212 : vector<1x1024xf32>
      %max3A_216 = arith.constant 9.99999971E-10 : f32
      %max3A_217 = vector.broadcast %max3A_216 : f32 to vector<1x1024xf32>
      %max3A_218 = arith.maximumf %sub3A_215, %max3A_217 : vector<1x1024xf32>
      %div3A = arith.divf %mul3A_212, %max3A_218 : vector<1x1024xf32>
      %gt3A_219 = arith.constant 6.000000e-01 : f32
      %gt3A_220 = vector.broadcast %gt3A_219 : f32 to vector<1x1024xf32>
      %gt3A_221 = arith.cmpf ogt, %div3A, %gt3A_220 : vector<1x1024xf32>
      %gt3A_222 = vector.broadcast %scan3A_149 : i32 to vector<1x1024xi32>
      %gt3A_223 = arith.cmpi sgt, %iota3A, %gt3A_222 : vector<1x1024xi32>
      %and3A_224 = arith.andi %gt3A_221, %gt3A_223 : vector<1x1024xi1>
      %and3A_225 = arith.andi %and3A_224, %and3A_122 : vector<1x1024xi1>
      %eq3A_226 = vector.broadcast %reduce_sum3A_188 : f32 to vector<1x1024xf32>
      %eq3A_227 = arith.cmpf oeq, %get3A_111, %eq3A_226 : vector<1x1024xf32>
      %and3A_228 = arith.andi %and3A_225, %eq3A_227 : vector<1x1024xi1>
      %gt3A_229 = arith.constant 0.000000e+00 : f32
      %gt3A_230 = arith.cmpf ogt, %reduce_sum3A_195, %gt3A_229 : f32
      %and3A_231 = vector.broadcast %gt3A_230 : i1 to vector<1x1024xi1>
      %and3A_232 = arith.andi %and3A_228, %and3A_231 : vector<1x1024xi1>
      %jit3A_233 = arith.constant 0.000000e+00 : f32
      %broadcast_in_dim3A_234 = vector.broadcast %jit3A_233 : f32 to vector<1x1024xf32>
      %select_n3A = arith.select %and3A_232, %broadcast_in_dim3A_234, %scan3A_150 : vector<1x1024xi1>, vector<1x1024xf32>
      scf.yield %select_n3A : vector<1x1024xf32>
    }
    %scan3A_142 = arith.constant 1000 : i32
    %swap3A_143 = arith.constant 0 : index
    %swap3A_144 = arith.constant 0 : index
    %swap3A_145 = arith.constant 0 : index
    %swap3A_146 = vector.load %arg7[%swap3A_143, %swap3A_144, %swap3A_145] : memref<1x1x1024xf32, #tpu.memory_space<vmem>>, vector<1x1x1024xf32>
    %swap3A_147 = vector.shape_cast %swap3A_146 : vector<1x1x1024xf32> to vector<1x1024xf32>
    %swap3A_148 = vector.shape_cast %scan3A_141 : vector<1x1024xf32> to vector<1x1x1024xf32>
    tpu.vector_store %arg7[%swap3A_143, %swap3A_144, %swap3A_145], %swap3A_148 {strides = array<i32>} : memref<1x1x1024xf32, #tpu.memory_space<vmem>>, vector<1x1x1024xf32>,
    return
  }
  func.func @transform_0(%arg0: i32) -> (i32, i32, i32) {
    %c0_i32 = arith.constant 0 : i32
    %c0_i32_0 = arith.constant 0 : i32
    %c0_i32_1 = arith.constant 0 : i32
    return %arg0, %c0_i32, %c0_i32_0 : i32, i32, i32
  }
  func.func @transform_1(%arg0: i32) -> (i32, i32, i32) {
    %c0_i32 = arith.constant 0 : i32
    %c0_i32_0 = arith.constant 0 : i32
    %c0_i32_1 = arith.constant 0 : i32
    return %arg0, %c0_i32, %c0_i32_0 : i32, i32, i32
  }
  func.func @transform_2(%arg0: i32) -> (i32, i32, i32) {
    %c0_i32 = arith.constant 0 : i32
    %c0_i32_0 = arith.constant 0 : i32
    %c0_i32_1 = arith.constant 0 : i32
    return %arg0, %c0_i32, %c0_i32_0 : i32, i32, i32
  }
  func.func @transform_3(%arg0: i32) -> (i32, i32, i32) {
    %c0_i32 = arith.constant 0 : i32
    %c0_i32_0 = arith.constant 0 : i32
    %c0_i32_1 = arith.constant 0 : i32
    return %arg0, %c0_i32, %c0_i32_0 : i32, i32, i32
  }
  func.func @transform_4(%arg0: i32) -> (i32, i32, i32) {
    %c0_i32 = arith.constant 0 : i32
    %c0_i32_0 = arith.constant 0 : i32
    %c0_i32_1 = arith.constant 0 : i32
    return %arg0, %c0_i32, %c0_i32_0 : i32, i32, i32
  }
  func.func @transform_5(%arg0: i32) -> (i32, i32, i32) {
    %c0_i32 = arith.constant 0 : i32
    %c0_i32_0 = arith.constant 0 : i32
    %c0_i32_1 = arith.constant 0 : i32
    return %arg0, %c0_i32, %c0_i32_0 : i32, i32, i32
  }
  func.func @transform_6(%arg0: i32) -> (i32, i32, i32) {
    %c0_i32 = arith.constant 0 : i32
    %c0_i32_0 = arith.constant 0 : i32
    %c0_i32_1 = arith.constant 0 : i32
    return %arg0, %c0_i32, %c0_i32_0 : i32, i32, i32
  }
}

</mosaic_0001>

<sc_bundles>
// kernel: gather_offload_async_start.1
scs
__scs_entry_jumppad:
0x0: {  	(pc) =	sbr.rel $0x88, $3  }
0x1: {  	(tag) =	ssettag $0x0;
	lr =	simm.s32 $0x1  }
0x2: {  	[smem:$0x3F9D] =	sst lr;
	_ =	strace $0xD0000000  }
0x3: {  	_ = 	snop  }
0x4: {  	_ = 	snop  }
0x5: {  	_ = 	snop  }
0x6: {  	_ = 	snop  }
0x7: {  	_ = 	snop  }
__scs_overlays_trampoline_lowered:
0x8: {  	[smem:$0x3FAC] =	sst s0  }
0x9: {  	[smem:$0x3FAD] =	sst s1  }
0xa: {  	[smem:$0x3FAE] =	sst s2  }
0xb: {  	[smem:$0x3FAF] =	sst s3  }
0xc: {  	[smem:$0x3FB0] =	sst s4  }
0xd: {  	[smem:$0x3FB1] =	sst s5  }
0xe: {  	[smem:$0x3FB2] =	sst s6  }
0xf: {  	[smem:$0x3FB3] =	sst s7  }
0x10: {  	[smem:$0x3FB4] =	sst s8  }
0x11: {  	[smem:$0x3FB5] =	sst s9;
	s0 =	simm.s32 @!p0 $0x0  }
0x12: {  	s1 =	sld [smem:$0x3F9B];
	s0 =	simm.s32 @p0 $0x1  }
0x13: {  	[smem:$0x3FB6] =	sst s0;
	s0 =	simm.s32 @!p1 $0x0  }
0x14: {  	s2 =	sld [smem:$0x3F9A];
	s0 =	simm.s32 @p1 $0x1  }
0x15: {  	[smem:$0x3FB7] =	sst s0;
	s0 =	simm.s32 @!p2 $0x0  }
0x16: {  	s3 =	sld [smem:$0x3FDB];
	s0 =	simm.s32 @p2 $0x1  }
0x17: {  	s4 =	simm.s32 $0x1BF5;
	[smem:$0x3FB9] =	sst s0  }
0x18: {  	s0 =	sld [smem:$0x3F9C];
	_ =	swait.ge [sflag:s4], $0x0  }
0x19: {  	s7 =	sld [smem:$0x3F9D]  }
0x1a: {  	s8 =	sadd.s32 $0xFFFFE003, lr  }
0x1b: {  	s9 =	sadd.s32 $0xFFFFFEF7, lr;
	s5 =	simm.s32 $0xFFFFFFFF;
	p2 =	slt.u32 s8, $0xFFFFF086  }
0x1c: {  	p1 =	slt.u32 s9, $0xF7A;
	s5 =	simm.s32 @!p2 $0x0  }
0x1d: {  	s5 =	simm.s32 @p1 $0x1;
	p0 =	seq.s32 s7, s2  }
0x1e: {  	s7 =	smul.u32 @!p0 $0xF7A, s2;
	p2 =	seq.s32 @!p0 s5, $0x0  }
0x1f: {  	s9 =	smul.u32 $0xF7A, s1;
	s8 =	simm.s32 @!p0 $0x1BF5;
	p2 =	por !p2, p0  }
0x20: {  	[sflag:s8] =	ssyncset.s32 @!p0 $0xFFFFF086;
	s6 =	sadd.s32 @!p0 s3, s7;
	s7 =	simm.s32 @!p0 $0x108  }
0x21: {  	s3 =	sadd.s32 s3, s9;
	s6 =	sadd.s32 @!p0 $0x88, s6;
	s7 =	simm.s32 @p2 $0x1082  }
0x22: {  	[simem:s7], [sflag:s8] =	dma.local @!p0 [hbm:s6], $0xF7A  }
0x23: {  	s9 =	sor.u32 $0xD0000000, s2;
	s6 =	simm.s32 $0x108;
	_ =	swait.ge @!p0 [sflag:s8], $0x0  }
0x24: {  	s3 =	sadd.s32 $0x88, s3;
	s6 =	simm.s32 @!p1 $0x1082;
	[sflag:s4] =	ssyncset.s32 $0xFFFFF086  }
0x25: {  	[simem:s6], [sflag:s4] =	dma.local [hbm:s3], $0xF7A  }
0x26: {  	[smem:$0x3F9D] =	sst s1;
	(tag) =	ssettag s2;
	_ =	strace s9  }
0x27: {  	s1 =	sld [smem:$0x3FAD]  }
0x28: {  	s2 =	sld [smem:$0x3FAE]  }
0x29: {  	s4 =	sld [smem:$0x3FB0]  }
0x2a: {  	p0 =	seq.s32 s5, $0x0;
	s5 =	sld [smem:$0x3FB1]  }
0x2b: {  	s6 =	sld [smem:$0x3FB2]  }
0x2c: {  	s7 =	sld [smem:$0x3FB3]  }
0x2d: {  	s3 =	simm.s32 $0x108;
	s8 =	sld [smem:$0x3FB4]  }
0x2e: {  	s3 =	simm.s32 @!p0 $0x1082;
	s9 =	sld [smem:$0x3FB5]  }
0x2f: {  	lr =	sadd.s32 s0, s3;
	s0 =	sld [smem:$0x3FAC]  }
0x30: {  	s3 =	sld [smem:$0x3FAF]  }
0x31: {  	[smem:$0x3FB8] =	sst s10  }
0x32: {  	s10 =	sld [smem:$0x3FB6];
	_ =	sdelay $0x3  }
0x33: {  	p0 =	seq.s32 s10, $0x1;
	s10 =	sld [smem:$0x3FB8];
	_ =	sdelay $0x3  }
0x34: {  	[smem:$0x3FB8] =	sst s10  }
0x35: {  	s10 =	sld [smem:$0x3FB7];
	_ =	sdelay $0x3  }
0x36: {  	p1 =	seq.s32 s10, $0x1;
	s10 =	sld [smem:$0x3FB8];
	_ =	sdelay $0x3  }
0x37: {  	[smem:$0x3FB8] =	sst s10  }
0x38: {  	s10 =	sld [smem:$0x3FB9]  }
0x39: {  	_ = 	snop;
	(pc) =	sbr.ind lr, $3  }
0x3a: {  	_ = 	snop  }
0x3b: {  	_ = 	snop  }
0x3c: {  	p2 =	seq.s32 s10, $0x1;
	s10 =	sld [smem:$0x3FB8]  }
0x3d: {  	_ =	shalt  }
0x3e: {  	_ =	shalt  }
0x3f: {  	_ =	shalt  }
0x40: {  	_ =	shalt  }
0x41: {  	_ =	shalt  }
0x42: {  	_ =	shalt  }
0x43: {  	_ =	shalt  }
0x44: {  	_ =	shalt  }
0x45: {  	_ =	shalt  }
0x46: {  	_ =	shalt  }
0x47: {  	_ =	shalt  }
0x48: {  	_ =	shalt  }
0x49: {  	_ =	shalt  }
0x4a: {  	_ =	shalt  }
0x4b: {  	_ =	shalt  }
0x4c: {  	_ =	shalt  }
0x4d: {  	_ =	shalt  }
0x4e: {  	_ =	shalt  }
0x4f: {  	_ =	shalt  }
0x50: {  	_ =	shalt  }
0x51: {  	_ =	shalt  }
0x52: {  	_ =	shalt  }
0x53: {  	_ =	shalt  }
0x54: {  	_ =	shalt  }
0x55: {  	_ =	shalt  }
0x56: {  	_ =	shalt  }
0x57: {  	_ =	shalt  }
0x58: {  	_ =	shalt  }
0x59: {  	_ =	shalt  }
0x5a: {  	_ =	shalt  }
0x5b: {  	_ =	shalt  }
0x5c: {  	_ =	shalt  }
0x5d: {  	_ =	shalt  }
0x5e: {  	_ =	shalt  }
0x5f: {  	_ =	shalt  }
0x60: {  	_ =	shalt  }
0x61: {  	_ =	shalt  }
0x62: {  	_ =	shalt  }
0x63: {  	_ =	shalt  }
0x64: {  	_ =	shalt  }
0x65: {  	_ =	shalt  }
0x66: {  	_ =	shalt  }
0x67: {  	_ =	shalt  }
0x68: {  	_ =	shalt  }
0x69: {  	_ =	shalt  }
0x6a: {  	_ =	shalt  }
0x6b: {  	_ =	shalt  }
0x6c: {  	_ =	shalt  }
0x6d: {  	_ =	shalt  }
0x6e: {  	_ =	shalt  }
0x6f: {  	_ =	shalt  }
0x70: {  	_ =	shalt  }
0x71: {  	_ =	shalt  }
0x72: {  	_ =	shalt  }
0x73: {  	_ =	shalt  }
0x74: {  	_ =	shalt  }
0x75: {  	_ =	shalt  }
0x76: {  	_ =	shalt  }
0x77: {  	_ =	shalt  }
0x78: {  	_ =	shalt  }
0x79: {  	_ =	shalt  }
0x7a: {  	_ =	shalt  }
0x7b: {  	_ =	shalt  }
0x7c: {  	_ =	shalt  }
0x7d: {  	_ =	shalt  }
0x7e: {  	_ =	shalt  }
0x7f: {  	_ =	shalt  }
0x80: {  	_ =	shalt  }
0x81: {  	_ =	shalt  }
0x82: {  	_ =	shalt  }
0x83: {  	_ =	shalt  }
0x84: {  	_ =	shalt  }
0x85: {  	_ =	shalt  }
0x86: {  	_ =	shalt  }
0x87: {  	_ =	shalt  }
.Lfunc_end0:
.L_simem_size_0:
called_computation.1_lowered:
.L_overlay_start_0:
0x88: {  	s0 =	sld [smem:$0x3FD9]  }
0x89: {  	s1 =	sld [smem:$0x3FFE];
	_ =	sdelay $0x3  }
0x8a: {  	s0 =	sadd.s32 s1, s0  }
0x8b: {  	[smem:$0x3FC4] =	sst s0  }
0x8c: {  	_ = 	snop  }
0x8d: {  	(tm) =	ssettm $0x1  }
0x8e: {  	s15 =	sld [smem:$0x3FFB];
	_ =	sdelay $0x3  }
0x8f: {  	_ =	strace s15  }
0x90: {  	s0 =	sld [smem:$0x3FFC];
	_ =	sdelay $0x3  }
0x91: {  	_ =	strace s0  }
0x92: {  	s0 =	sld [smem:$0x3FFD];
	_ =	sdelay $0x3  }
0x93: {  	_ =	strace s0  }
0x94: {  	_ =	strace $0x8FFFFFFF  }
0x95: {  	s16 =	sld [smem:$0x3FDB];
	_ =	sdelay $0x1  }
0x96: {  	s17 =	simm.s32 $_scs_section_size  }
0x97: {  	s2 =	simm.s32 $_size__tile_overlayer_lowered;
	s3 =	simm.s32 $_tile_overlayer_lowered  }
0x98: {  	s20 =	simm.s32 $0x1BFF;
	s19 =	sshll.u32 s3, $0x1;
	s0 =	sadd.s32 s17, s16  }
0x99: {  	s4 =	simm.s32 $0x0;
	s18 =	sshll.u32 s2, $0x1;
	s2 =	sadd.s32 s19, s0  }
0x9a: {  	[timem:s4], [sflag:s20] =	dma.local [hbm:s2], s18  }
0x9b: {  	_ =	swait.ge [sflag:s20], s18  }
0x9c: {  	s1 =	ssub.s32 $0x0, s18;
	[sflag:s20] =	ssyncset.done $0x0  }
0x9d: {  	[sflag:s20] =	ssyncadd.s32 s1;
	_ =	sdelay $0x1  }
0x9e: {  	s21 =	simm.s32 $0x1B8B  }
0x9f: {  	_ =	swait.ge [sflag:s21], $0x1  }
0xa0: {  	[sflag:s21] =	ssyncset.done $0x0  }
0xa1: {  	s23 =	simm.s32 $0x1B8E;
	s22 =	sld [smem:$0x3FFE];
	[sflag:s21] =	ssyncadd.s32 $0xFFFFFFFF  }
0xa2: {  	s24 =	simm.s32 $execute0_lowered;
	[smem:$0x3FD2] =	sst s23  }
0xa3: {  	s2 =	sshll.u32 s24, $0x1;
	_ =	strace $0x80000049;
	[dreg:$0x1] =	wrdreg $0xFFFFFFFF  }
0xa4: {  	s25 =	simm.s32 $_size_execute0_lowered;
	s0 =	sadd.s32 s0, s2;
	[dreg:$0x0] =	wrdreg $0x0  }
0xa5: {  	s2 =	sshll.u32 s25, $0x1;
	[dreg:$0x2] =	wrdreg s0  }
0xa6: {  	[dreg:$0x3] =	wrdreg s2  }
0xa7: {  	[dreg:$0x4] =	wrdreg $0xC0  }
0xa8: {  	_ =	task [dreg:s4], $0x5FFFF  }
0xa9: {  	[dreg:$0x1] =	wrdreg $0xFFFFFFFF  }
0xaa: {  	[dreg:$0x0] =	wrdreg $0x60  }
0xab: {  	[dreg:$0x2] =	wrdreg s22  }
0xac: {  	[dreg:$0x3] =	wrdreg $0xA  }
0xad: {  	_ =	task.clear_ibuf [dreg:s4], $0x4FFFF;
	_ =	strace $0x90000049  }
0xae: {  	s26 =	simm.s32 $0xA;
	_ =	strace $0x8000004B  }
0xaf: {  	_ =	swait.ge [sflag:s26], $0x1  }
0xb0: {  	[sflag:s26] =	ssyncadd.s32 $0xFFFFFFFF  }
0xb1: {  	_ =	strace $0x9000004B  }
0xb2: {  	_ =	sfence  }
0xb3: {  	s28 =	sld [smem:$0x0];
	_ =	sdelay $0x1  }
0xb4: {  	s29 =	srdreg.scid  }
0xb5: {  	s30 =	sshll.u32 s29, $0xD;
	s31 =	sshrl.u32 s29, $0x2  }
0xb6: {  	s1 =	sand.u32 $0x1, s29;
	s2 =	sand.u32 $0x4000, s30;
	s0 =	sadd.s32 s31, s28  }
0xb7: {  	s1 =	sor.u32 s2, s1;
	s0 =	sshll.u32 s0, $0x11  }
0xb8: {  	s0 =	sor.u32 s0, s1  }
0xb9: {  	s0 =	sadd.s32 $0x8F2B, s0  }
0xba: {  	[sflag:s0] =	ssyncadd.remote.s32 $0x1  }
0xbb: {  	_ =	sfence.sel $0xFFFF  }
0xbc: {  	[dreg:$0x0] =	wrdreg $0xFFFFFFFF;
	(pc) =	sbr.abs _section_cstart, $3  }
0xbd: {  	[dreg:$0x1] =	wrdreg $0xFFFFFFFF  }
0xbe: {  	_ =	task.clear_ibuf [dreg:s4], $0x2FFFF;
	_ =	strace $0x9FFFFFFF  }
0xbf: {  	(tm) =	ssettm $0x7FFFFFFF  }
tec
execute0_lowered:
.L_overlay_start_1:
0x0: {  	(tag) =	ssettag $0x1  }
0x1: {  	s0 =	stileid.u32  }
0x2: {  	s1 =	smin.u32 s0, $0x9  }
0x3: {  	s1 =	sadd.s32 s0, s1  }
0x4: {  	p0 =	slt.u32 s0, $0x9;
	s2 =	smul.u32 $0x50, s1;
	s1 =	simm.s32 $0xA0  }
0x5: {  	s1 =	simm.s32 @!p0 $0x50  }
0x6: {  	s1 =	sadd.s32 s1, s2  }
0x7: {  	s3 =	smin.u32 s1, $0x7D0  }
0x8: {  	s7 =	ssub.s32 s3, s2  }
0x9: {  	p0 =	sgt.s32 s7, $0x0  }
0xa: {  	s7 =	simm.s32 @!p0 $0x0  }
0xb: {  	s31 =	smul.u32 $0xCCCD, s7  }
0xc: {  	s9 =	rddreg [dreg:$0x0];
	s6 =	simm.s32 $0x1;
	s11 =	simm.s32 $0x3  }
0xd: {  	s13 =	simm.s32 $0x0;
	s12 =	simm.s32 $0x0;
	s8 =	sshrl.u32 s31, $0x16  }
0xe: {  	s4 =	sadd.s32 $0x56600, s9;
	s5 =	sadd.s32 $0x56400, s9;
	s10 =	smul.u32 $0x50, s8  }
.Ltmp0:
0xf: {  	s9 =	sadd.s32 $0xF2A00, s9;
	s1 =	rddreg [dreg:$0x1];
	(pc) =	sbr.rel .LBB2_1-.Ltmp0, $4  }
0x10: {  	_ =	strace $0x8000004A;
	p0 =	sne.s32 s7, s10;
	s10 =	simm.s32 $0x1  }
0x11: {  	[sflag:s6] =	ssyncpa.u1 $0x0;
	s7 =	simm.s32 $0x2;
	s10 =	simm.s32 @!p0 $0x0  }
0x12: {  	[sflag:s7] =	ssyncpa.u1 $0x0;
	p0 =	por $0x0, $0x0;
	s8 =	sadd.s32 s8, s10  }
0x13: {  	v0 =	vimm.s32 $0x0;
	vm0 =	vmmov $0xff;
	vm1 =	vcmask $0x3F20;
	[sflag:s11] =	ssyncpa.u1 $0x0;
	s11 =	smov.u32 s2;
	s10 =	sadd.s32 $0x1, s8  }
.LBB2_6:
0x14: {  	[hbm:s17] =	stream.linear.scatter [tilespmem:s14], [sflag:$0x3], $0x400, $0x38;
	[tilespmem:$0x50A0] =	vst v63  }
.LBB2_7:
0x15: {  	s13 =	sadd.s32 $0x50, s11  }
0x16: {  	s15 =	smov.u32 s2;
	p2 =	slt.s32 s13, s3  }
0x17: {  	s15 =	smov.u32 @p2 s13;
	p2 =	sne.s32 s12, s10  }
.Ltmp1:
0x18: {  	p1 =	slt.u32 s12, $0x2;
	(pc) =	sbr.rel @!p2 .LBB2_8-.Ltmp1, $4  }
0x19: {  	s14 =	simm.s32 @!p1 $0x3  }
0x1a: {  	s16 =	sadd.s32 $0x1, s12;
	_ =	swait.ge @!p1 [sflag:s14], $0x2800  }
0x1b: {  	p0 =	por !p0, !p0;
	s13 =	smov.u32 s11;
	[sflag:s14] =	ssyncset.done @!p1 $0x0  }
0x1c: {  	s12 =	smov.u32 s16;
	s11 =	smov.u32 s15;
	[sflag:s14] =	ssyncadd.s32 @!p1 $0xFFFFD800  }
.LBB2_1:
0x1d: {  	p1 =	sge.u32 s12, s8  }
0x1e: {  	s14 =	sxor.u32 @!p1 $0xFFFFFFFF, s12  }
0x1f: {  	s14 =	sand.u32 @!p1 $0x1, s14  }
0x20: {  	s14 =	smul.u32 @!p1 $0x140, s14  }
0x21: {  	s31 =	sadd.s32 $0xFFFFFFFF, s12;
	s15 =	sshrl.u32 @!p1 s11, $0x3  }
0x22: {  	s16 =	sand.u32 @!p1 $0x7, s11;
	s15 =	sadd.s32 @!p1 s5, s15;
	s14 =	sshrl.u32 @!p1 s14, $0x2  }
0x23: {  	[tilespmem:s14], [sflag:$0x2] =	stream.linear.gather @!p1 [hbm4b:s15+s16], $0x50, $0x38;
	[tilespmem:$0x50A0] =	vst v63  }
0x24: {  	p1 =	sge.u32 s31, s8  }
.Ltmp2:
0x25: {  	_ = 	snop;
	(pc) =	sbr.rel @p1 .LBB2_7-.Ltmp2, $1  }
0x26: {  	_ =	sdelay $0x3  }
0x27: {  	s14 =	simm.s32 $0x1  }
0x28: {  	s14 =	simm.s32 @!p0 $0x0  }
0x29: {  	s15 =	smul.u32 $0x140, s14  }
0x2a: {  	_ =	swait.ge [sflag:s7], $0x50  }
0x2b: {  	[sflag:s7] =	ssyncset.done $0x0;
	s16 =	sshrl.u32 s15, $0x2  }
0x2c: {  	[sflag:s7] =	ssyncadd.s32 $0xFFFFFFB0;
	s15 =	sadd.s32 $0x0, s16  }
0x2d: {  	v1 =	vld.msk [tilespmem:s15+$0x0 ss:$0x1], $0xffff;
	_ =	sdelay $0x4  }
0x2e: {  	v2 =	vand.u32 $0x1, v1;
	v3 =	vshll.u32 v1, $0x6  }
0x2f: {  	vm2 =	veq.s32 v1, $0x80000000;
	vm3 =	veq.s32 v2, $0x1;
	v1 =	vand.u32 $0x3FFF80, v3  }
0x30: {  	v2 =	vsel vm3, $0x271000, v0;
	v1 =	vsel vm2, $0xFFFFFF80, v1  }
0x31: {  	v2 =	vsel vm2, $0xFFD8F000, v2;
	v3 =	vand.u32 $0xFFFFFC00, v1  }
0x32: {  	v1 =	vand.u32 $0x380, v1;
	v2 =	vadd.s32 v2, v3  }
0x33: {  	v1 =	vor.u32 v1, v2  }
0x34: {  	v1 =	vshrl.u32 v1, $0x3  }
0x35: {  	s14 =	smul.u32 $0xA000, s14;
	_ =	sdelay $0x1  }
0x36: {  	s14 =	sshrl.u32 s14, $0x2  }
0x37: {  	s14 =	sor.u32 $0xA0, s14  }
0x38: {  	[tilespmem:s14], [sflag:$0x1] =	stream.indirect_vreg.gather [hbm:s4], $0x80, v1, vm0, $0x38;
	[tilespmem:$0x50A0] =	vst v63  }
0x39: {  	s17 =	sadd.s32 $0x10, s16;
	s15 =	sadd.s32 $0x400, s14  }
0x3a: {  	[tilespmem:s15], [sflag:$0x1] =	stream.indirect_vreg.gather [hbm:s4], $0x80, v1, vm1, $0x38;
	[tilespmem:$0x50A0] =	vst v63  }
0x3b: {  	s18 =	simm.s32 $0x80;
	v1 =	vld.msk [tilespmem:s17+$0x0 ss:$0x1], $0xffff;
	s17 =	smov.u32 s14  }
.LBB2_3:
0x3c: {  	p1 =	sne.s32 s18, $0x100;
	_ =	sdelay $0x4  }
0x3d: {  	v2 =	vand.u32 $0x1, v1;
	v3 =	vshll.u32 v1, $0x6  }
0x3e: {  	vm2 =	veq.s32 v1, $0x80000000;
	vm3 =	veq.s32 v2, $0x1;
	v1 =	vand.u32 $0x3FFF80, v3  }
0x3f: {  	v2 =	vsel vm3, $0x271000, v0;
	v1 =	vsel vm2, $0xFFFFFF80, v1  }
0x40: {  	v2 =	vsel vm2, $0xFFD8F000, v2;
	v3 =	vand.u32 $0xFFFFFC00, v1  }
0x41: {  	v1 =	vand.u32 $0x380, v1;
	v2 =	vadd.s32 v2, v3  }
0x42: {  	v1 =	vor.u32 v1, v2  }
0x43: {  	v1 =	vshrl.u32 v1, $0x3;
	_ =	sdelay $0x3  }
.Ltmp3:
0x44: {  	s19 =	sshra.s32 s18, $0x2;
	s17 =	sadd.s32 $0x800, s17;
	(pc) =	sbr.rel @p1 .LBB2_3-.Ltmp3, $4  }
0x45: {  	[tilespmem:s17], [sflag:$0x1] =	stream.indirect_vreg.gather [hbm:s4], $0x80, v1, vm0, $0x38;
	[tilespmem:$0x50A0] =	vst v63  }
0x46: {  	s19 =	sadd.s32 s19, s16;
	s20 =	sadd.s32 $0x400, s17  }
0x47: {  	[tilespmem:s20], [sflag:$0x1] =	stream.indirect_vreg.gather [hbm:s4], $0x80, v1, vm1, $0x38;
	[tilespmem:$0x50A0] =	vst v63  }
0x48: {  	s18 =	sadd.s32 $0x40, s18;
	v1 =	vld.msk [tilespmem:s19+$0x0 ss:$0x1], $0xffff  }
0x49: {  	_ =	sdelay $0x3  }
0x4a: {  	v2 =	vand.u32 $0x1, v1;
	v3 =	vshll.u32 v1, $0x6  }
0x4b: {  	vm2 =	veq.s32 v1, $0x80000000;
	vm3 =	veq.s32 v2, $0x1;
	v1 =	vand.u32 $0x3FFF80, v3  }
0x4c: {  	v2 =	vsel vm3, $0x271000, v0;
	v1 =	vsel vm2, $0xFFFFFF80, v1  }
0x4d: {  	v2 =	vsel vm2, $0xFFD8F000, v2;
	v3 =	vand.u32 $0xFFFFFC00, v1  }
0x4e: {  	v1 =	vand.u32 $0x380, v1;
	v2 =	vadd.s32 v2, v3  }
0x4f: {  	v1 =	vor.u32 v1, v2  }
0x50: {  	v1 =	vshrl.u32 v1, $0x3;
	_ =	sdelay $0x3  }
0x51: {  	s16 =	sadd.s32 $0x800, s17  }
0x52: {  	[tilespmem:s16], [sflag:$0x1] =	stream.indirect_vreg.gather [hbm:s4], $0x80, v1, vm0, $0x38;
	[tilespmem:$0x50A0] =	vst v63  }
0x53: {  	s16 =	sadd.s32 $0x400, s16  }
0x54: {  	[tilespmem:s16], [sflag:$0x1] =	stream.indirect_vreg.gather [hbm:s4], $0x80, v1, vm1, $0x38;
	[tilespmem:$0x50A0] =	vst v63  }
0x55: {  	s13 =	sshll.u32 s13, $0x4;
	_ =	swait.ge [sflag:s6], $0x2800  }
0x56: {  	s13 =	sadd.s32 s13, s9;
	[sflag:s6] =	ssyncset.done $0x0  }
0x57: {  	s17 =	sadd.s32 $0x0, s13;
	s16 =	simm.s32 $0x80;
	[sflag:s6] =	ssyncadd.s32 $0xFFFFD800  }
.LBB2_5:
0x58: {  	[hbm:s17] =	stream.linear.scatter [tilespmem:s14], [sflag:$0x3], $0x400, $0x38;
	[tilespmem:$0x50A0] =	vst v63  }
0x59: {  	s17 =	smov.u32 s16;
	s14 =	smov.u32 s15;
	p1 =	sne.s32 s16, $0x480  }
.Ltmp4:
0x5a: {  	s16 =	sadd.s32 $0x80, s16;
	(pc) =	sbr.rel @p1 .LBB2_5-.Ltmp4, $2  }
0x5b: {  	_ =	sdelay $0x2  }
0x5c: {  	s15 =	sadd.s32 $0x400, s15;
	s17 =	sadd.s32 s17, s13  }
.Ltmp5:
0x5d: {  	_ = 	snop;
	(pc) =	sbr.rel .LBB2_6-.Ltmp5, $1  }
0x5e: {  	_ =	sdelay $0x3  }
.LBB2_8:
0x5f: {  	_ =	sfence.sel $0x180000  }
0x60: {  	s2 =	simm.s32 $0x2;
	[bflag:$0x0] =	sbarrier.arrive $0xFFFF  }
0x61: {  	s30 =	simm.s32 $0x3;
	[sflag:s2] =	ssyncpa.u1 $0x1  }
0x62: {  	s31 =	simm.s32 $0x1;
	[sflag:s30] =	ssyncpa.u1 $0x1  }
0x63: {  	[sflag:s31] =	ssyncpa.u1 $0x1  }
0x64: {  	p0 =	sne.s32 s0, $0x0;
	_ =	strace $0x9000004A  }
0x65: {  	s0 =	sadd.s32 @!p0 $0x100000, s1;
	[bflag:$0x2] =	sbarrier.arrive $0xFFFF  }
0x66: {  	[sflag:s0] =	ssyncadd.tile.s32 @!p0 $0x1;
	_ =	shalt  }
.Lfunc_end2:
_tile_overlayer_lowered:
.L_overlay_start_2:
0x67: {  	(tag) =	ssettag $0x2  }
0x68: {  	s0 =	rddreg [dreg:$0x0];
	s2 =	stileid.u32  }
0x69: {  	s1 =	rddreg [dreg:$0x1];
	p0 =	sne.s32 s2, $0x0  }
0x6a: {  	s3 =	rddreg [dreg:$0x2];
	[bflag:$0x3] =	sbarrier.arrive $0xFFFF;
	s2 =	simm.s32 @!p0 $0x1C01  }
0x6b: {  	[timem:s3], [sflag:s2] =	dma.local @!p0 [hbm:s0], s1  }
0x6c: {  	s0 =	simm.s32 @!p0 $0x1  }
0x6d: {  	_ =	swait.ge @!p0 [sflag:s0], s1  }
0x6e: {  	s1 =	ssub.s32 @!p0 $0x0, s1;
	[sflag:s0] =	ssyncset.done @!p0 $0x0  }
0x6f: {  	[sflag:s0] =	ssyncadd.s32 @!p0 s1  }
0x70: {  	[bflag:$0x3] =	sbarrier.arrive $0xFFFF  }
0x71: {  	_ =	shalt  }

// kernel: gather_offload_async_start.2
scs
__scs_entry_jumppad:
0x0: {  	(pc) =	sbr.rel $0x88, $3  }
0x1: {  	(tag) =	ssettag $0x0;
	lr =	simm.s32 $0x1  }
0x2: {  	[smem:$0x3F9D] =	sst lr;
	_ =	strace $0xD0000000  }
0x3: {  	_ = 	snop  }
0x4: {  	_ = 	snop  }
0x5: {  	_ = 	snop  }
0x6: {  	_ = 	snop  }
0x7: {  	_ = 	snop  }
__scs_overlays_trampoline_lowered:
0x8: {  	[smem:$0x3FAC] =	sst s0  }
0x9: {  	[smem:$0x3FAD] =	sst s1  }
0xa: {  	[smem:$0x3FAE] =	sst s2  }
0xb: {  	[smem:$0x3FAF] =	sst s3  }
0xc: {  	[smem:$0x3FB0] =	sst s4  }
0xd: {  	[smem:$0x3FB1] =	sst s5  }
0xe: {  	[smem:$0x3FB2] =	sst s6  }
0xf: {  	[smem:$0x3FB3] =	sst s7  }
0x10: {  	[smem:$0x3FB4] =	sst s8  }
0x11: {  	[smem:$0x3FB5] =	sst s9;
	s0 =	simm.s32 @!p0 $0x0  }
0x12: {  	s1 =	sld [smem:$0x3F9B];
	s0 =	simm.s32 @p0 $0x1  }
0x13: {  	[smem:$0x3FB6] =	sst s0;
	s0 =	simm.s32 @!p1 $0x0  }
0x14: {  	s2 =	sld [smem:$0x3F9A];
	s0 =	simm.s32 @p1 $0x1  }
0x15: {  	[smem:$0x3FB7] =	sst s0;
	s0 =	simm.s32 @!p2 $0x0  }
0x16: {  	s3 =	sld [smem:$0x3FDB];
	s0 =	simm.s32 @p2 $0x1  }
0x17: {  	s4 =	simm.s32 $0x1BF5;
	[smem:$0x3FB9] =	sst s0  }
0x18: {  	s0 =	sld [smem:$0x3F9C];
	_ =	swait.ge [sflag:s4], $0x0  }
0x19: {  	s7 =	sld [smem:$0x3F9D]  }
0x1a: {  	s8 =	sadd.s32 $0xFFFFE003, lr  }
0x1b: {  	s9 =	sadd.s32 $0xFFFFFEF7, lr;
	s5 =	simm.s32 $0xFFFFFFFF;
	p2 =	slt.u32 s8, $0xFFFFF086  }
0x1c: {  	p1 =	slt.u32 s9, $0xF7A;
	s5 =	simm.s32 @!p2 $0x0  }
0x1d: {  	s5 =	simm.s32 @p1 $0x1;
	p0 =	seq.s32 s7, s2  }
0x1e: {  	s7 =	smul.u32 @!p0 $0xF7A, s2;
	p2 =	seq.s32 @!p0 s5, $0x0  }
0x1f: {  	s9 =	smul.u32 $0xF7A, s1;
	s8 =	simm.s32 @!p0 $0x1BF5;
	p2 =	por !p2, p0  }
0x20: {  	[sflag:s8] =	ssyncset.s32 @!p0 $0xFFFFF086;
	s6 =	sadd.s32 @!p0 s3, s7;
	s7 =	simm.s32 @!p0 $0x108  }
0x21: {  	s3 =	sadd.s32 s3, s9;
	s6 =	sadd.s32 @!p0 $0x88, s6;
	s7 =	simm.s32 @p2 $0x1082  }
0x22: {  	[simem:s7], [sflag:s8] =	dma.local @!p0 [hbm:s6], $0xF7A  }
0x23: {  	s9 =	sor.u32 $0xD0000000, s2;
	s6 =	simm.s32 $0x108;
	_ =	swait.ge @!p0 [sflag:s8], $0x0  }
0x24: {  	s3 =	sadd.s32 $0x88, s3;
	s6 =	simm.s32 @!p1 $0x1082;
	[sflag:s4] =	ssyncset.s32 $0xFFFFF086  }
0x25: {  	[simem:s6], [sflag:s4] =	dma.local [hbm:s3], $0xF7A  }
0x26: {  	[smem:$0x3F9D] =	sst s1;
	(tag) =	ssettag s2;
	_ =	strace s9  }
0x27: {  	s1 =	sld [smem:$0x3FAD]  }
0x28: {  	s2 =	sld [smem:$0x3FAE]  }
0x29: {  	s4 =	sld [smem:$0x3FB0]  }
0x2a: {  	p0 =	seq.s32 s5, $0x0;
	s5 =	sld [smem:$0x3FB1]  }
0x2b: {  	s6 =	sld [smem:$0x3FB2]  }
0x2c: {  	s7 =	sld [smem:$0x3FB3]  }
0x2d: {  	s3 =	simm.s32 $0x108;
	s8 =	sld [smem:$0x3FB4]  }
0x2e: {  	s3 =	simm.s32 @!p0 $0x1082;
	s9 =	sld [smem:$0x3FB5]  }
0x2f: {  	lr =	sadd.s32 s0, s3;
	s0 =	sld [smem:$0x3FAC]  }
0x30: {  	s3 =	sld [smem:$0x3FAF]  }
0x31: {  	[smem:$0x3FB8] =	sst s10  }
0x32: {  	s10 =	sld [smem:$0x3FB6];
	_ =	sdelay $0x3  }
0x33: {  	p0 =	seq.s32 s10, $0x1;
	s10 =	sld [smem:$0x3FB8];
	_ =	sdelay $0x3  }
0x34: {  	[smem:$0x3FB8] =	sst s10  }
0x35: {  	s10 =	sld [smem:$0x3FB7];
	_ =	sdelay $0x3  }
0x36: {  	p1 =	seq.s32 s10, $0x1;
	s10 =	sld [smem:$0x3FB8];
	_ =	sdelay $0x3  }
0x37: {  	[smem:$0x3FB8] =	sst s10  }
0x38: {  	s10 =	sld [smem:$0x3FB9]  }
0x39: {  	_ = 	snop;
	(pc) =	sbr.ind lr, $3  }
0x3a: {  	_ = 	snop  }
0x3b: {  	_ = 	snop  }
0x3c: {  	p2 =	seq.s32 s10, $0x1;
	s10 =	sld [smem:$0x3FB8]  }
0x3d: {  	_ =	shalt  }
0x3e: {  	_ =	shalt  }
0x3f: {  	_ =	shalt  }
0x40: {  	_ =	shalt  }
0x41: {  	_ =	shalt  }
0x42: {  	_ =	shalt  }
0x43: {  	_ =	shalt  }
0x44: {  	_ =	shalt  }
0x45: {  	_ =	shalt  }
0x46: {  	_ =	shalt  }
0x47: {  	_ =	shalt  }
0x48: {  	_ =	shalt  }
0x49: {  	_ =	shalt  }
0x4a: {  	_ =	shalt  }
0x4b: {  	_ =	shalt  }
0x4c: {  	_ =	shalt  }
0x4d: {  	_ =	shalt  }
0x4e: {  	_ =	shalt  }
0x4f: {  	_ =	shalt  }
0x50: {  	_ =	shalt  }
0x51: {  	_ =	shalt  }
0x52: {  	_ =	shalt  }
0x53: {  	_ =	shalt  }
0x54: {  	_ =	shalt  }
0x55: {  	_ =	shalt  }
0x56: {  	_ =	shalt  }
0x57: {  	_ =	shalt  }
0x58: {  	_ =	shalt  }
0x59: {  	_ =	shalt  }
0x5a: {  	_ =	shalt  }
0x5b: {  	_ =	shalt  }
0x5c: {  	_ =	shalt  }
0x5d: {  	_ =	shalt  }
0x5e: {  	_ =	shalt  }
0x5f: {  	_ =	shalt  }
0x60: {  	_ =	shalt  }
0x61: {  	_ =	shalt  }
0x62: {  	_ =	shalt  }
0x63: {  	_ =	shalt  }
0x64: {  	_ =	shalt  }
0x65: {  	_ =	shalt  }
0x66: {  	_ =	shalt  }
0x67: {  	_ =	shalt  }
0x68: {  	_ =	shalt  }
0x69: {  	_ =	shalt  }
0x6a: {  	_ =	shalt  }
0x6b: {  	_ =	shalt  }
0x6c: {  	_ =	shalt  }
0x6d: {  	_ =	shalt  }
0x6e: {  	_ =	shalt  }
0x6f: {  	_ =	shalt  }
0x70: {  	_ =	shalt  }
0x71: {  	_ =	shalt  }
0x72: {  	_ =	shalt  }
0x73: {  	_ =	shalt  }
0x74: {  	_ =	shalt  }
0x75: {  	_ =	shalt  }
0x76: {  	_ =	shalt  }
0x77: {  	_ =	shalt  }
0x78: {  	_ =	shalt  }
0x79: {  	_ =	shalt  }
0x7a: {  	_ =	shalt  }
0x7b: {  	_ =	shalt  }
0x7c: {  	_ =	shalt  }
0x7d: {  	_ =	shalt  }
0x7e: {  	_ =	shalt  }
0x7f: {  	_ =	shalt  }
0x80: {  	_ =	shalt  }
0x81: {  	_ =	shalt  }
0x82: {  	_ =	shalt  }
0x83: {  	_ =	shalt  }
0x84: {  	_ =	shalt  }
0x85: {  	_ =	shalt  }
0x86: {  	_ =	shalt  }
0x87: {  	_ =	shalt  }
.Lfunc_end0:
.L_simem_size_0:
called_computation.2_lowered:
.L_overlay_start_0:
0x88: {  	s0 =	sld [smem:$0x3FD9]  }
0x89: {  	s1 =	sld [smem:$0x3FFE];
	_ =	sdelay $0x3  }
0x8a: {  	s0 =	sadd.s32 s1, s0  }
0x8b: {  	[smem:$0x3FC4] =	sst s0  }
0x8c: {  	_ = 	snop  }
0x8d: {  	s0 =	sld [smem:$0x3FD0];
	_ =	sdelay $0x2  }
0x8e: {  	s13 =	simm.s32 $0xB;
	s2 =	simm.s32 $0x10  }
0x8f: {  	[smem:s2], [sflag:s13] =	dma.local [hbm:s0], $0x1  }
0x90: {  	_ =	swait.eq [sflag:s13], $0x1  }
0x91: {  	[sflag:s13] =	ssyncset.done $0x0  }
0x92: {  	[sflag:s13] =	ssyncadd.s32 $0xFFFFFFFF  }
0x93: {  	s14 =	sld [smem:$0x10];
	(tm) =	ssettm $0x1  }
0x94: {  	s15 =	sld [smem:$0x3FFB];
	_ =	sdelay $0x3  }
0x95: {  	_ =	strace s15  }
0x96: {  	s1 =	sld [smem:$0x3FFC];
	_ =	sdelay $0x3  }
0x97: {  	_ =	strace s1  }
0x98: {  	s1 =	sld [smem:$0x3FFD];
	_ =	sdelay $0x3  }
0x99: {  	_ =	strace s1  }
0x9a: {  	_ =	strace $0x8FFFFFFF  }
0x9b: {  	s16 =	sld [smem:$0x3FDB];
	_ =	sdelay $0x1  }
0x9c: {  	s17 =	simm.s32 $_scs_section_size  }
0x9d: {  	s3 =	simm.s32 $_size__tile_overlayer_lowered;
	s4 =	simm.s32 $_tile_overlayer_lowered  }
0x9e: {  	s20 =	simm.s32 $0x1BFF;
	s19 =	sshll.u32 s4, $0x1;
	s1 =	sadd.s32 s17, s16  }
0x9f: {  	s5 =	simm.s32 $0x0;
	s18 =	sshll.u32 s3, $0x1;
	s3 =	sadd.s32 s19, s1  }
0xa0: {  	[timem:s5], [sflag:s20] =	dma.local [hbm:s3], s18  }
0xa1: {  	_ =	swait.ge [sflag:s20], s18  }
0xa2: {  	s2 =	ssub.s32 $0x0, s18;
	[sflag:s20] =	ssyncset.done $0x0  }
0xa3: {  	[sflag:s20] =	ssyncadd.s32 s2;
	_ =	sdelay $0x1  }
0xa4: {  	s21 =	simm.s32 $0x1B8B  }
0xa5: {  	_ =	swait.ge [sflag:s21], $0x1  }
0xa6: {  	[sflag:s21] =	ssyncset.done $0x0  }
0xa7: {  	s23 =	simm.s32 $0x1B8E;
	s22 =	sld [smem:$0x3FFE];
	[sflag:s21] =	ssyncadd.s32 $0xFFFFFFFF  }
0xa8: {  	s24 =	simm.s32 $execute0_lowered;
	[smem:$0x3FD2] =	sst s23  }
0xa9: {  	s3 =	sshll.u32 s24, $0x1;
	_ =	strace $0x8000004F;
	[dreg:$0x1] =	wrdreg $0xFFFFFFFF  }
0xaa: {  	s25 =	simm.s32 $_size_execute0_lowered;
	s1 =	sadd.s32 s1, s3;
	[dreg:$0x0] =	wrdreg $0x0  }
0xab: {  	s3 =	sshll.u32 s25, $0x1;
	[dreg:$0x2] =	wrdreg s1  }
0xac: {  	[dreg:$0x3] =	wrdreg s3  }
0xad: {  	[dreg:$0x4] =	wrdreg $0xC0  }
0xae: {  	_ =	task [dreg:s5], $0x5FFFF  }
0xaf: {  	[dreg:$0x1] =	wrdreg $0xFFFFFFFF  }
0xb0: {  	[dreg:$0x0] =	wrdreg $0x60  }
0xb1: {  	[dreg:$0x2] =	wrdreg s14  }
0xb2: {  	[dreg:$0x3] =	wrdreg s22  }
0xb3: {  	[dreg:$0x4] =	wrdreg $0x9  }
0xb4: {  	_ =	task.clear_ibuf [dreg:s5], $0x5FFFF;
	_ =	strace $0x9000004F  }
0xb5: {  	s26 =	simm.s32 $0x9;
	_ =	strace $0x80000051  }
0xb6: {  	_ =	swait.ge [sflag:s26], $0x1  }
0xb7: {  	[sflag:s26] =	ssyncadd.s32 $0xFFFFFFFF  }
0xb8: {  	_ =	strace $0x90000051  }
0xb9: {  	_ =	sfence  }
0xba: {  	s28 =	sld [smem:$0x0];
	_ =	sdelay $0x1  }
0xbb: {  	s29 =	srdreg.scid  }
0xbc: {  	s30 =	sshll.u32 s29, $0xD;
	s31 =	sshrl.u32 s29, $0x2  }
0xbd: {  	s2 =	sand.u32 $0x4000, s30;
	s1 =	sand.u32 $0x1, s29;
	s0 =	sadd.s32 s31, s28  }
0xbe: {  	s1 =	sor.u32 s2, s1;
	s0 =	sshll.u32 s0, $0x11  }
0xbf: {  	s0 =	sor.u32 s0, s1  }
0xc0: {  	s0 =	sadd.s32 $0x8F2B, s0  }
0xc1: {  	[sflag:s0] =	ssyncadd.remote.s32 $0x1  }
0xc2: {  	_ =	sfence.sel $0xFFFF  }
0xc3: {  	[dreg:$0x0] =	wrdreg $0xFFFFFFFF;
	(pc) =	sbr.abs _section_cstart, $3  }
0xc4: {  	[dreg:$0x1] =	wrdreg $0xFFFFFFFF  }
0xc5: {  	_ =	task.clear_ibuf [dreg:s5], $0x2FFFF;
	_ =	strace $0x9FFFFFFF  }
0xc6: {  	(tm) =	ssettm $0x7FFFFFFF  }
0xc7: {  	_ =	shalt  }
tec
execute0_lowered:
.L_overlay_start_1:
0x0: {  	(tag) =	ssettag $0x1  }
0x1: {  	s0 =	stileid.u32;
	s3 =	simm.s32 $0x200;
	s5 =	rddreg [dreg:$0x1]  }
0x2: {  	s10 =	simm.s32 $0x1;
	s1 =	smin.u32 s0, $0x4;
	p0 =	slt.u32 s0, $0x4  }
0x3: {  	s6 =	simm.s32 $0x2;
	s2 =	sshll.u32 s1, $0x9;
	s3 =	simm.s32 @!p0 $0x0  }
0x4: {  	s11 =	simm.s32 $0x4;
	s12 =	simm.s32 $0xFFFFF800;
	s1 =	sadd.s32 s3, s2  }
0x5: {  	s13 =	simm.s32 $0xFFFFFE00;
	s14 =	simm.s32 $0xFFFFFFFF;
	s4 =	smin.u32 s1, $0x7D0  }
0x6: {  	s18 =	simm.s32 $0x0;
	s15 =	simm.s32 $0x0;
	s9 =	ssub.s32 s4, s2  }
0x7: {  	s17 =	simm.s32 $0x0;
	s3 =	rddreg [dreg:$0x0];
	p0 =	sgt.s32 s9, $0x0  }
0x8: {  	s1 =	rddreg [dreg:$0x2];
	_ =	strace $0x80000050;
	s9 =	simm.s32 @!p0 $0x0  }
.Ltmp0:
0x9: {  	[sflag:s10] =	ssyncpa.u1 $0x0;
	s8 =	sand.u32 $0x1D0, s9;
	(pc) =	sbr.rel .LBB2_1-.Ltmp0, $4  }
0xa: {  	s7 =	sadd.s32 $0x400, s5;
	[sflag:s6] =	ssyncpa.u1 $0x0;
	p0 =	sne.s32 s8, $0x0  }
0xb: {  	s9 =	sshrl.u32 s9, $0x9;
	s8 =	simm.s32 $0x3;
	s10 =	simm.s32 @!p0 $0x0  }
0xc: {  	s16 =	smov.u32 s2;
	[sflag:s8] =	ssyncpa.u1 $0x0;
	s9 =	sadd.s32 s10, s9  }
0xd: {  	v0 =	vlaneseq.u32;
	vm0 =	vmmov $0xffff;
	[sflag:s11] =	ssyncpa.u1 $0x0;
	s11 =	simm.s32 $0x0;
	s10 =	sadd.s32 $0x2, s9  }
.LBB2_7:
0xe: {  	p0 =	slt.u32 s17, $0x3  }
0xf: {  	s18 =	simm.s32 @!p0 $0x4  }
0x10: {  	_ =	swait.ge @!p0 [sflag:s18], $0x80  }
0x11: {  	s19 =	sadd.s32 $0x200, s16;
	[sflag:s18] =	ssyncset.done @!p0 $0x0  }
0x12: {  	s20 =	smov.u32 s2;
	[sflag:s18] =	ssyncadd.s32 @!p0 $0xFFFFFF80;
	p0 =	slt.s32 s19, s4  }
0x13: {  	s20 =	smov.u32 @p0 s19;
	p0 =	sne.s32 s17, s10  }
.Ltmp1:
0x14: {  	_ = 	snop;
	(pc) =	sbr.rel @!p0 .LBB2_8-.Ltmp1, $4  }
0x15: {  	_ = 	snop  }
0x16: {  	s31 =	sadd.s32 $0x1, s17;
	s12 =	sadd.s32 $0x800, s12  }
0x17: {  	s13 =	sadd.s32 $0x200, s13;
	s14 =	sadd.s32 $0x1, s14;
	s18 =	smov.u32 s15  }
0x18: {  	s15 =	smov.u32 s16;
	s17 =	smov.u32 s31;
	s16 =	smov.u32 s20  }
.LBB2_1:
0x19: {  	p0 =	sge.u32 s17, s9  }
0x1a: {  	s19 =	smulhi.u32 @!p0 $0xAAAAAAAB, s17;
	_ =	sdelay $0x1  }
0x1b: {  	s19 =	sshrl.u32 @!p0 s19, $0x1  }
0x1c: {  	s19 =	smul.u32 @!p0 $0x3, s19;
	_ =	sdelay $0x1  }
0x1d: {  	s31 =	sadd.s32 $0xFFFFFFFF, s17;
	s20 =	sshrl.u32 @!p0 s16, $0x3;
	s19 =	ssub.s32 @!p0 s17, s19  }
0x1e: {  	s21 =	sand.u32 @!p0 $0x7, s16;
	s20 =	sadd.s32 @!p0 s7, s20;
	s19 =	sshll.u32 @!p0 s19, $0x9  }
0x1f: {  	[tilespmem:s19], [sflag:$0x2] =	stream.linear.gather @!p0 [hbm4b:s20+s21], $0x200, $0x38;
	[tilespmem:$0xB00] =	vst v63  }
0x20: {  	p0 =	sge.u32 s31, s9  }
.Ltmp2:
0x21: {  	_ = 	snop;
	(pc) =	sbr.rel @p0 .LBB2_5-.Ltmp2, $1  }
0x22: {  	_ =	sdelay $0x3  }
0x23: {  	s19 =	smulhi.u32 $0xAAAAAAAB, s14;
	_ =	sdelay $0x1  }
0x24: {  	s19 =	sshrl.u32 s19, $0x1  }
0x25: {  	s19 =	smul.u32 $0xFFFFE800, s19  }
0x26: {  	_ =	swait.ge [sflag:s6], $0x200;
	s20 =	ssub.s32 $0x7D0, s15  }
0x27: {  	[sflag:s6] =	ssyncset.done $0x0;
	p0 =	slt.s32 s20, $0x200;
	s19 =	sshra.s32 s19, $0x2  }
0x28: {  	[sflag:s6] =	ssyncadd.s32 $0xFFFFFE00;
	s20 =	simm.s32 @!p0 $0x200;
	s21 =	sadd.s32 s19, s13  }
0x29: {  	(ifvalue) =	ssetifvalue $0x7FFFFFFF;
	p0 =	sgt.s32 s20, $0x0;
	s19 =	sadd.s32 $0xFFFFFFF0, s20;
	v1 =	vld.msk [tilespmem:s21+$0x0 ss:$0x1], $0xffff  }
0x2a: {  	s20 =	simm.s32 @!p0 $0x0;
	p0 =	sgt.s32 s19, $0x0  }
0x2b: {  	s22 =	sadd.s32 $0xFFFFFFF0, s19;
	s20 =	smin.u32 s20, $0x10;
	s19 =	simm.s32 @!p0 $0x0  }
0x2c: {  	v2 =	vmov s20;
	s19 =	smin.u32 s19, $0x10  }
0x2d: {  	s24 =	sadd.s32 $0x10, s21;
	vm1 =	vgt.u32 v2, v0;
	v2 =	vmov s19  }
0x2e: {  	v3 =	vld.msk [tilespmem:s24+$0x0 ss:$0x1], $0xffff;
	vm1 =	vmmov vm1;
	vm2 =	vgt.u32 v2, v0;
	v2 =	vshll.u32 v1, $0x1  }
0x2f: {  	p0 =	sgt.s32 s22, $0x0;
	s19 =	smov.u32 s22;
	v4 =	vand.u32 $0x1, v1;
	vm3 =	veq.s32 v1, $0x80000000;
	v1 =	vand.u32 $0xFFC, v2  }
0x30: {  	s19 =	simm.s32 @!p0 $0x0;
	vm1 =	vmmov vm1;
	v2 =	vsel vm3, $0xFFFFFFFF, v4;
	v1 =	vsel vm3, $0xFFFFFFFC, v1  }
0x31: {  	s19 =	smin.u32 s19, $0x10;
	vm2 =	vmmov vm2;
	v4 =	vand.u32 $0xFFFFF000, v2;
	v5 =	vand.u32 $0xFFFFFE00, v1  }
0x32: {  	s25 =	sadd.s32 $0xFFFFFFF0, s22;
	v6 =	vmov s19;
	v1 =	vand.u32 $0x1FC, v1;
	v4 =	vadd.s32 v4, v5  }
0x33: {  	s23 =	smov.u32 s25;
	p0 =	sgt.s32 s25, $0x0;
	vm4 =	veq.s32 v3, $0x80000000;
	v2 =	vand.u32 $0x3, v2;
	v1 =	vor.u32 v1, v4  }
0x34: {  	s23 =	simm.s32 @!p0 $0x0;
	s19 =	sadd.s32 $0x10, s24;
	vm3 =	vgt.u32 v6, v0;
	v5 =	vshll.u32 v3, $0x1;
	v1 =	vshrl.u32 v1, $0x2  }
0x35: {  	s31 =	smin.u32 s23, $0x10;
	s20 =	sadd.s32 $0x10, s19;
	v4 =	vand.u32 $0x1, v3;
	v3 =	vand.u32 $0xFFC, v5;
	v1 =	vnsel vm1, $0x7FFFFFFF, v1  }
0x36: {  	s29 =	sshrl.u32 s12, $0x2;
	v8 =	vmov s31;
	[tilespmem:s21+$0x0] =	vst v2;
	v2 =	vld.msk [tilespmem:s20+$0x0 ss:$0x1], $0xffff;
	v4 =	vsel vm4, $0xFFFFFFFF, v4;
	v5 =	vsel vm4, $0xFFFFFFFC, v3  }
0x37: {  	s30 =	sand.u32 $0x200, s29;
	vm3 =	vmmov vm3;
	v3 =	vld.msk [tilespmem:s19+$0x0 ss:$0x1], $0xffff;
	v6 =	vand.u32 $0xFFFFF000, v4;
	v7 =	vand.u32 $0xFFFFFE00, v5  }
0x38: {  	s22 =	sadd.s32 $0x600, s30;
	s25 =	sadd.s32 $0xFFFFFFF0, s25;
	s23 =	simm.s32 $0x30;
	v4 =	vand.u32 $0x3, v4;
	v5 =	vand.u32 $0x1FC, v5;
	v6 =	vadd.s32 v6, v7  }
0x39: {  	s21 =	sadd.s32 $0x10, s22;
	vm1 =	vmmov vm2;
	vm2 =	vgt.u32 v8, v0;
	[tilespmem:s24+$0x0] =	vst v4;
	s24 =	sadd.s32 $0x10, s20;
	(ifvalue) =	ssetifvalue $0x7FFFFFFF;
	v4 =	vor.u32 v5, v6  }
.LBB2_3:
0x3a: {  	[tilespmem:s22], [sflag:$0x3] =	stream.indirect_vreg.gather [hbm4b:s3+s11], $0x1, v1, vm0, $0x4038;
	[tilespmem:$0xB00] =	vst v63  }
0x3b: {  	p0 =	sgt.s32 s25, $0x0;
	s23 =	sadd.s32 $0x10, s23;
	s26 =	smov.u32 s25  }
0x3c: {  	v5 =	vand.u32 $0x1, v3;
	v6 =	vshll.u32 v3, $0x1;
	v4 =	vshrl.u32 v4, $0x2;
	v7 =	vmovc v2;
	v2 =	vld.msk [tilespmem:s24+$0x0 ss:$0x1], $0xffff;
	s26 =	simm.s32 @!p0 $0x0;
	p0 =	slt.u32 s23, $0x1F0  }
.Ltmp3:
0x3d: {  	vm4 =	veq.s32 v3, $0x80000000;
	v6 =	vand.u32 $0xFFC, v6;
	v1 =	vnsel vm1, $0x7FFFFFFF, v4;
	v3 =	vmovc v7;
	(pc) =	sbr.rel @p0 .LBB2_3-.Ltmp3, $4  }
0x3e: {  	s22 =	smov.u32 s21;
	v4 =	vsel vm4, $0xFFFFFFFF, v5;
	vm1 =	vmmov vm3;
	v5 =	vsel vm4, $0xFFFFFFFC, v6  }
0x3f: {  	s28 =	smov.u32 s19;
	s19 =	smov.u32 s20;
	s26 =	smin.u32 s26, $0x10;
	v6 =	vand.u32 $0xFFFFF000, v4;
	v7 =	vand.u32 $0xFFFFFE00, v5;
	v5 =	vand.u32 $0x1FC, v5  }
0x40: {  	s21 =	sadd.s32 $0x10, s21;
	s20 =	smov.u32 s24;
	v9 =	vand.u32 $0x3, v4;
	v8 =	vmov s26;
	v4 =	vadd.s32 v6, v7  }
0x41: {  	s24 =	sadd.s32 $0x10, s24;
	s25 =	sadd.s32 $0xFFFFFFF0, s25;
	vm3 =	vmmov vm2;
	vm2 =	vgt.u32 v8, v0;
	v4 =	vor.u32 v5, v4;
	[tilespmem:s28+$0x0] =	vst v9;
	(ifvalue) =	ssetifvalue $0x7FFFFFFF  }
0x42: {  	v5 =	vshll.u32 v3, $0x1  }
0x43: {  	v6 =	vand.u32 $0x1, v3;
	vm4 =	veq.s32 v3, $0x80000000;
	v4 =	vshrl.u32 v4, $0x2  }
0x44: {  	v60 =	vshll.u32 v2, $0x1;
	v8 =	vand.u32 $0x1, v2;
	vm15 =	veq.s32 v2, $0x80000000  }
0x45: {  	v3 =	vand.u32 $0xFFC, v5;
	v59 =	vsel vm4, $0xFFFFFFFF, v6;
	v2 =	vand.u32 $0xFFC, v60  }
0x46: {  	v61 =	vsel vm15, $0xFFFFFFFF, v8;
	v4 =	vnsel vm1, $0x7FFFFFFF, v4;
	v3 =	vsel vm4, $0xFFFFFFFC, v3  }
0x47: {  	vm1 =	vmmov vm3;
	v6 =	vand.u32 $0xFFFFF000, v59;
	v7 =	vand.u32 $0xFFFFFE00, v3  }
0x48: {  	v2 =	vsel vm15, $0xFFFFFFFC, v2;
	v3 =	vand.u32 $0x1FC, v3;
	v6 =	vadd.s32 v6, v7  }
0x49: {  	v62 =	vand.u32 $0xFFFFF000, v61;
	v63 =	vand.u32 $0xFFFFFE00, v2;
	v3 =	vor.u32 v3, v6  }
0x4a: {  	v2 =	vand.u32 $0x1FC, v2;
	v6 =	vadd.s32 v62, v63;
	v3 =	vshrl.u32 v3, $0x2  }
0x4b: {  	vm2 =	vmmov vm2;
	v2 =	vor.u32 v2, v6;
	v3 =	vnsel vm1, $0x7FFFFFFF, v3  }
0x4c: {  	[tilespmem:s22], [sflag:$0x3] =	stream.indirect_vreg.gather [hbm4b:s3+s11], $0x1, v1, vm0, $0x4038;
	v5 =	vand.u32 $0x3, v59;
	vm1 =	vmmov vm2;
	v1 =	vshrl.u32 v2, $0x2;
	[tilespmem:$0xB00] =	vst v63  }
0x4d: {  	[tilespmem:s19+$0x0] =	vst v5;
	(ifvalue) =	ssetifvalue $0x7FFFFFFF;
	v1 =	vnsel vm1, $0x7FFFFFFF, v1  }
0x4e: {  	[tilespmem:s21], [sflag:$0x3] =	stream.indirect_vreg.gather [hbm4b:s3+s11], $0x1, v4, vm0, $0x4038;
	v2 =	vand.u32 $0x3, v61;
	[tilespmem:$0xB00] =	vst v63  }
0x4f: {  	s31 =	sadd.s32 $0x10, s21;
	[tilespmem:s20+$0x0] =	vst v2;
	(ifvalue) =	ssetifvalue $0x7FFFFFFF  }
0x50: {  	[tilespmem:s31], [sflag:$0x3] =	stream.indirect_vreg.gather [hbm4b:s3+s11], $0x1, v3, vm0, $0x4038;
	[tilespmem:$0xB00] =	vst v63  }
0x51: {  	s19 =	sadd.s32 $0x10, s31;
	(ifvalue) =	ssetifvalue $0x7FFFFFFF  }
0x52: {  	[tilespmem:s19], [sflag:$0x3] =	stream.indirect_vreg.gather [hbm4b:s3+s11], $0x1, v1, vm0, $0x4038;
	[tilespmem:$0xB00] =	vst v63  }
.LBB2_5:
0x53: {  	p0 =	slt.u32 s17, $0x2  }
0x54: {  	p1 =	sge.u32 @!p0 s17, s10  }
0x55: {  	p0 =	por p0, p1  }
.Ltmp4:
0x56: {  	_ = 	snop;
	(pc) =	sbr.rel @p0 .LBB2_7-.Ltmp4, $1  }
0x57: {  	_ =	sdelay $0x3  }
0x58: {  	s19 =	sadd.s32 $0xFFFFFFFE, s17  }
0x59: {  	s20 =	smulhi.u32 $0xAAAAAAAB, s19  }
0x5a: {  	_ =	swait.ge [sflag:s8], $0x200  }
0x5b: {  	s21 =	sand.u32 $0x1, s17;
	[sflag:s8] =	ssyncset.done $0x0;
	s20 =	sshrl.u32 s20, $0x1  }
0x5c: {  	s28 =	sshll.u32 s21, $0x9;
	[sflag:s8] =	ssyncadd.s32 $0xFFFFFE00;
	s20 =	smul.u32 $0x3, s20  }
0x5d: {  	v1 =	vld [tilespmem:s28+$0x600]  }
0x5e: {  	v3 =	vld [tilespmem:s28+$0x680];
	s20 =	ssub.s32 s19, s20  }
0x5f: {  	v6 =	vld [tilespmem:s28+$0x700];
	s20 =	sshll.u32 s20, $0x9  }
0x60: {  	v2 =	vld [tilespmem:s20+$0x0]  }
0x61: {  	v4 =	vld [tilespmem:s20+$0x80]  }
0x62: {  	v5 =	vld [tilespmem:s20+$0x100]  }
0x63: {  	v7 =	vld [tilespmem:s20+$0x180];
	_ =	sdelay $0x1  }
0x64: {  	v8 =	vld [tilespmem:s28+$0x780]  }
0x65: {  	v2 =	vshll.u32 v2, $0x3;
	v4 =	vshll.u32 v4, $0x3  }
0x66: {  	v1 =	vshrl.u32 v1, v2;
	v2 =	vshrl.u32 v3, v4;
	v3 =	vshll.u32 v5, $0x3  }
0x67: {  	v21 =	vshll.u32 v7, $0x3;
	v2 =	vshll.u32 v2, $0x8;
	v3 =	vshrl.u32 v6, v3  }
0x68: {  	v1 =	vand.u32 $0xFF, v1;
	v2 =	vand.u32 $0xFF00, v2;
	v3 =	vshll.u32 v3, $0x10  }
0x69: {  	v1 =	vor.u32 v1, v2;
	v2 =	vand.u32 $0xFF0000, v3;
	v3 =	vshrl.u32 v8, v21  }
0x6a: {  	v1 =	vor.u32 v2, v1;
	v2 =	vshll.u32 v3, $0x18  }
0x6b: {  	s21 =	sshll.u32 s21, $0x7;
	v1 =	vor.u32 v2, v1  }
0x6c: {  	[tilespmem:s21+$0xA00] =	vst v1  }
0x6d: {  	v1 =	vld [tilespmem:s28+$0x610]  }
0x6e: {  	v2 =	vld [tilespmem:s20+$0x10]  }
0x6f: {  	v3 =	vld [tilespmem:s28+$0x690]  }
0x70: {  	v22 =	vld [tilespmem:s20+$0x90]  }
0x71: {  	v23 =	vld [tilespmem:s20+$0x110]  }
0x72: {  	v24 =	vld [tilespmem:s28+$0x710]  }
0x73: {  	v25 =	vld [tilespmem:s20+$0x190];
	_ =	sdelay $0x1  }
0x74: {  	v26 =	vld [tilespmem:s28+$0x790]  }
0x75: {  	v2 =	vshll.u32 v2, $0x3;
	v4 =	vshll.u32 v22, $0x3  }
0x76: {  	v1 =	vshrl.u32 v1, v2;
	v2 =	vshrl.u32 v3, v4;
	v3 =	vshll.u32 v23, $0x3  }
0x77: {  	v27 =	vshll.u32 v25, $0x3;
	v2 =	vshll.u32 v2, $0x8;
	v3 =	vshrl.u32 v24, v3  }
0x78: {  	v1 =	vand.u32 $0xFF, v1;
	v2 =	vand.u32 $0xFF00, v2;
	v3 =	vshll.u32 v3, $0x10  }
0x79: {  	v1 =	vor.u32 v1, v2;
	v2 =	vand.u32 $0xFF0000, v3;
	v3 =	vshrl.u32 v26, v27  }
0x7a: {  	v1 =	vor.u32 v2, v1;
	v2 =	vshll.u32 v3, $0x18  }
0x7b: {  	v1 =	vor.u32 v2, v1  }
0x7c: {  	[tilespmem:s21+$0xA10] =	vst v1  }
0x7d: {  	v1 =	vld [tilespmem:s28+$0x620]  }
0x7e: {  	v2 =	vld [tilespmem:s20+$0x20]  }
0x7f: {  	v3 =	vld [tilespmem:s28+$0x6A0]  }
0x80: {  	v28 =	vld [tilespmem:s20+$0xA0]  }
0x81: {  	v29 =	vld [tilespmem:s20+$0x120]  }
0x82: {  	v30 =	vld [tilespmem:s28+$0x720]  }
0x83: {  	v31 =	vld [tilespmem:s20+$0x1A0];
	_ =	sdelay $0x1  }
0x84: {  	v32 =	vld [tilespmem:s28+$0x7A0]  }
0x85: {  	v2 =	vshll.u32 v2, $0x3;
	v4 =	vshll.u32 v28, $0x3  }
0x86: {  	v1 =	vshrl.u32 v1, v2;
	v2 =	vshrl.u32 v3, v4;
	v3 =	vshll.u32 v29, $0x3  }
0x87: {  	v33 =	vshll.u32 v31, $0x3;
	v2 =	vshll.u32 v2, $0x8;
	v3 =	vshrl.u32 v30, v3  }
0x88: {  	v1 =	vand.u32 $0xFF, v1;
	v2 =	vand.u32 $0xFF00, v2;
	v3 =	vshll.u32 v3, $0x10  }
0x89: {  	v1 =	vor.u32 v1, v2;
	v2 =	vand.u32 $0xFF0000, v3;
	v3 =	vshrl.u32 v32, v33  }
0x8a: {  	v1 =	vor.u32 v2, v1;
	v2 =	vshll.u32 v3, $0x18  }
0x8b: {  	v1 =	vor.u32 v2, v1  }
0x8c: {  	[tilespmem:s21+$0xA20] =	vst v1  }
0x8d: {  	v1 =	vld [tilespmem:s28+$0x630]  }
0x8e: {  	v2 =	vld [tilespmem:s20+$0x30]  }
0x8f: {  	v3 =	vld [tilespmem:s28+$0x6B0]  }
0x90: {  	v34 =	vld [tilespmem:s20+$0xB0]  }
0x91: {  	v35 =	vld [tilespmem:s20+$0x130]  }
0x92: {  	v36 =	vld [tilespmem:s28+$0x730]  }
0x93: {  	v37 =	vld [tilespmem:s20+$0x1B0];
	_ =	sdelay $0x1  }
0x94: {  	v38 =	vld [tilespmem:s28+$0x7B0]  }
0x95: {  	v2 =	vshll.u32 v2, $0x3;
	v4 =	vshll.u32 v34, $0x3  }
0x96: {  	v1 =	vshrl.u32 v1, v2;
	v2 =	vshrl.u32 v3, v4;
	v3 =	vshll.u32 v35, $0x3  }
0x97: {  	v39 =	vshll.u32 v37, $0x3;
	v2 =	vshll.u32 v2, $0x8;
	v3 =	vshrl.u32 v36, v3  }
0x98: {  	v1 =	vand.u32 $0xFF, v1;
	v2 =	vand.u32 $0xFF00, v2;
	v3 =	vshll.u32 v3, $0x10  }
0x99: {  	v1 =	vor.u32 v1, v2;
	v2 =	vand.u32 $0xFF0000, v3;
	v3 =	vshrl.u32 v38, v39  }
0x9a: {  	v1 =	vor.u32 v2, v1;
	v2 =	vshll.u32 v3, $0x18  }
0x9b: {  	v1 =	vor.u32 v2, v1  }
0x9c: {  	[tilespmem:s21+$0xA30] =	vst v1  }
0x9d: {  	v1 =	vld [tilespmem:s28+$0x640]  }
0x9e: {  	v2 =	vld [tilespmem:s20+$0x40]  }
0x9f: {  	v3 =	vld [tilespmem:s28+$0x6C0]  }
0xa0: {  	v40 =	vld [tilespmem:s20+$0xC0]  }
0xa1: {  	v41 =	vld [tilespmem:s20+$0x140]  }
0xa2: {  	v42 =	vld [tilespmem:s28+$0x740]  }
0xa3: {  	v43 =	vld [tilespmem:s20+$0x1C0];
	_ =	sdelay $0x1  }
0xa4: {  	v44 =	vld [tilespmem:s28+$0x7C0]  }
0xa5: {  	v2 =	vshll.u32 v2, $0x3;
	v4 =	vshll.u32 v40, $0x3  }
0xa6: {  	v1 =	vshrl.u32 v1, v2;
	v2 =	vshrl.u32 v3, v4;
	v3 =	vshll.u32 v41, $0x3  }
0xa7: {  	v45 =	vshll.u32 v43, $0x3;
	v2 =	vshll.u32 v2, $0x8;
	v3 =	vshrl.u32 v42, v3  }
0xa8: {  	v1 =	vand.u32 $0xFF, v1;
	v2 =	vand.u32 $0xFF00, v2;
	v3 =	vshll.u32 v3, $0x10  }
0xa9: {  	v1 =	vor.u32 v1, v2;
	v2 =	vand.u32 $0xFF0000, v3;
	v3 =	vshrl.u32 v44, v45  }
0xaa: {  	v1 =	vor.u32 v2, v1;
	v2 =	vshll.u32 v3, $0x18  }
0xab: {  	v1 =	vor.u32 v2, v1  }
0xac: {  	[tilespmem:s21+$0xA40] =	vst v1  }
0xad: {  	v1 =	vld [tilespmem:s28+$0x650]  }
0xae: {  	v2 =	vld [tilespmem:s20+$0x50]  }
0xaf: {  	v3 =	vld [tilespmem:s28+$0x6D0]  }
0xb0: {  	v46 =	vld [tilespmem:s20+$0xD0]  }
0xb1: {  	v47 =	vld [tilespmem:s20+$0x150]  }
0xb2: {  	v48 =	vld [tilespmem:s28+$0x750]  }
0xb3: {  	v49 =	vld [tilespmem:s20+$0x1D0];
	_ =	sdelay $0x1  }
0xb4: {  	v50 =	vld [tilespmem:s28+$0x7D0]  }
0xb5: {  	v2 =	vshll.u32 v2, $0x3;
	v4 =	vshll.u32 v46, $0x3  }
0xb6: {  	v1 =	vshrl.u32 v1, v2;
	v2 =	vshrl.u32 v3, v4;
	v3 =	vshll.u32 v47, $0x3  }
0xb7: {  	v51 =	vshll.u32 v49, $0x3;
	v2 =	vshll.u32 v2, $0x8;
	v3 =	vshrl.u32 v48, v3  }
0xb8: {  	v1 =	vand.u32 $0xFF, v1;
	v2 =	vand.u32 $0xFF00, v2;
	v3 =	vshll.u32 v3, $0x10  }
0xb9: {  	v1 =	vor.u32 v1, v2;
	v2 =	vand.u32 $0xFF0000, v3;
	v3 =	vshrl.u32 v50, v51  }
0xba: {  	v1 =	vor.u32 v2, v1;
	v2 =	vshll.u32 v3, $0x18  }
0xbb: {  	v1 =	vor.u32 v2, v1  }
0xbc: {  	[tilespmem:s21+$0xA50] =	vst v1  }
0xbd: {  	v1 =	vld [tilespmem:s28+$0x660]  }
0xbe: {  	v2 =	vld [tilespmem:s20+$0x60]  }
0xbf: {  	v3 =	vld [tilespmem:s28+$0x6E0]  }
0xc0: {  	v52 =	vld [tilespmem:s20+$0xE0]  }
0xc1: {  	v53 =	vld [tilespmem:s20+$0x160]  }
0xc2: {  	v54 =	vld [tilespmem:s28+$0x760]  }
0xc3: {  	v55 =	vld [tilespmem:s20+$0x1E0];
	_ =	sdelay $0x1  }
0xc4: {  	v56 =	vld [tilespmem:s28+$0x7E0]  }
0xc5: {  	v2 =	vshll.u32 v2, $0x3;
	v4 =	vshll.u32 v52, $0x3  }
0xc6: {  	v1 =	vshrl.u32 v1, v2;
	v2 =	vshrl.u32 v3, v4;
	v3 =	vshll.u32 v53, $0x3  }
0xc7: {  	v57 =	vshll.u32 v55, $0x3;
	v2 =	vshll.u32 v2, $0x8;
	v3 =	vshrl.u32 v54, v3  }
0xc8: {  	v1 =	vand.u32 $0xFF, v1;
	v2 =	vand.u32 $0xFF00, v2;
	v3 =	vshll.u32 v3, $0x10  }
0xc9: {  	v1 =	vor.u32 v1, v2;
	v2 =	vand.u32 $0xFF0000, v3;
	v3 =	vshrl.u32 v56, v57  }
0xca: {  	v1 =	vor.u32 v2, v1;
	v2 =	vshll.u32 v3, $0x18  }
0xcb: {  	v1 =	vor.u32 v2, v1  }
0xcc: {  	[tilespmem:s21+$0xA60] =	vst v1  }
0xcd: {  	v1 =	vld [tilespmem:s28+$0x670]  }
0xce: {  	v2 =	vld [tilespmem:s20+$0x70]  }
0xcf: {  	v3 =	vld [tilespmem:s28+$0x6F0]  }
0xd0: {  	v58 =	vld [tilespmem:s20+$0xF0]  }
0xd1: {  	v59 =	vld [tilespmem:s20+$0x170]  }
0xd2: {  	v60 =	vld [tilespmem:s28+$0x770]  }
0xd3: {  	v61 =	vld [tilespmem:s20+$0x1F0];
	_ =	sdelay $0x1  }
0xd4: {  	v62 =	vld [tilespmem:s28+$0x7F0]  }
0xd5: {  	v2 =	vshll.u32 v2, $0x3;
	v4 =	vshll.u32 v58, $0x3  }
0xd6: {  	v1 =	vshrl.u32 v1, v2;
	v2 =	vshrl.u32 v3, v4;
	v3 =	vshll.u32 v59, $0x3  }
0xd7: {  	v63 =	vshll.u32 v61, $0x3;
	v3 =	vshrl.u32 v60, v3;
	v2 =	vshll.u32 v2, $0x8  }
0xd8: {  	v1 =	vand.u32 $0xFF, v1;
	v2 =	vand.u32 $0xFF00, v2;
	v3 =	vshll.u32 v3, $0x10  }
.Ltmp5:
0xd9: {  	v1 =	vor.u32 v1, v2;
	v2 =	vshrl.u32 v62, v63;
	v3 =	vand.u32 $0xFF0000, v3;
	(pc) =	sbr.rel .LBB2_7-.Ltmp5, $4  }
0xda: {  	v1 =	vor.u32 v3, v1;
	v2 =	vshll.u32 v2, $0x18  }
0xdb: {  	s29 =	sshrl.u32 s18, $0x2;
	s30 =	sshrl.u32 s18, $0x5;
	v1 =	vor.u32 v2, v1  }
0xdc: {  	s18 =	sadd.s32 s30, s5;
	s31 =	sor.u32 $0xA00, s21;
	s19 =	sand.u32 $0x7, s29;
	[tilespmem:s21+$0xA70] =	vst v1  }
0xdd: {  	[hbm4b:s18+s19] =	stream.linear.scatter [tilespmem:s31], [sflag:$0x4], $0x80, $0x38;
	[tilespmem:$0xB00] =	vst v63  }
.LBB2_8:
0xde: {  	_ =	sfence.sel $0x180000  }
0xdf: {  	s2 =	simm.s32 $0x2;
	[bflag:$0x0] =	sbarrier.arrive $0xFFFF  }
0xe0: {  	s29 =	simm.s32 $0x3;
	[sflag:s2] =	ssyncpa.u1 $0x1  }
0xe1: {  	s30 =	simm.s32 $0x4;
	[sflag:s29] =	ssyncpa.u1 $0x1  }
0xe2: {  	s31 =	simm.s32 $0x1;
	[sflag:s30] =	ssyncpa.u1 $0x1  }
0xe3: {  	[sflag:s31] =	ssyncpa.u1 $0x1  }
0xe4: {  	p0 =	sne.s32 s0, $0x0;
	_ =	strace $0x90000050  }
0xe5: {  	s0 =	sadd.s32 @!p0 $0x100000, s1;
	[bflag:$0x2] =	sbarrier.arrive $0xFFFF  }
0xe6: {  	[sflag:s0] =	ssyncadd.tile.s32 @!p0 $0x1;
	_ =	shalt  }
.Lfunc_end2:
_tile_overlayer_lowered:
.L_overlay_start_2:
0xe7: {  	(tag) =	ssettag $0x2  }
0xe8: {  	s0 =	rddreg [dreg:$0x0];
	s2 =	stileid.u32  }
0xe9: {  	s1 =	rddreg [dreg:$0x1];
	p0 =	sne.s32 s2, $0x0  }
0xea: {  	s3 =	rddreg [dreg:$0x2];
	[bflag:$0x3] =	sbarrier.arrive $0xFFFF;
	s2 =	simm.s32 @!p0 $0x1C01  }
0xeb: {  	[timem:s3], [sflag:s2] =	dma.local @!p0 [hbm:s0], s1  }
0xec: {  	s0 =	simm.s32 @!p0 $0x1  }
0xed: {  	_ =	swait.ge @!p0 [sflag:s0], s1  }
0xee: {  	s1 =	ssub.s32 @!p0 $0x0, s1;
	[sflag:s0] =	ssyncset.done @!p0 $0x0  }
0xef: {  	[sflag:s0] =	ssyncadd.s32 @!p0 s1  }
0xf0: {  	[bflag:$0x3] =	sbarrier.arrive $0xFFFF  }
0xf1: {  	_ =	shalt  }

// kernel: gather_offload_async_start.3
scs
__scs_entry_jumppad:
0x0: {  	(pc) =	sbr.rel $0x88, $3  }
0x1: {  	(tag) =	ssettag $0x0;
	lr =	simm.s32 $0x1  }
0x2: {  	[smem:$0x3F9D] =	sst lr;
	_ =	strace $0xD0000000  }
0x3: {  	_ = 	snop  }
0x4: {  	_ = 	snop  }
0x5: {  	_ = 	snop  }
0x6: {  	_ = 	snop  }
0x7: {  	_ = 	snop  }
__scs_overlays_trampoline_lowered:
0x8: {  	[smem:$0x3FAC] =	sst s0  }
0x9: {  	[smem:$0x3FAD] =	sst s1  }
0xa: {  	[smem:$0x3FAE] =	sst s2  }
0xb: {  	[smem:$0x3FAF] =	sst s3  }
0xc: {  	[smem:$0x3FB0] =	sst s4  }
0xd: {  	[smem:$0x3FB1] =	sst s5  }
0xe: {  	[smem:$0x3FB2] =	sst s6  }
0xf: {  	[smem:$0x3FB3] =	sst s7  }
0x10: {  	[smem:$0x3FB4] =	sst s8  }
0x11: {  	[smem:$0x3FB5] =	sst s9;
	s0 =	simm.s32 @!p0 $0x0  }
0x12: {  	s1 =	sld [smem:$0x3F9B];
	s0 =	simm.s32 @p0 $0x1  }
0x13: {  	[smem:$0x3FB6] =	sst s0;
	s0 =	simm.s32 @!p1 $0x0  }
0x14: {  	s2 =	sld [smem:$0x3F9A];
	s0 =	simm.s32 @p1 $0x1  }
0x15: {  	[smem:$0x3FB7] =	sst s0;
	s0 =	simm.s32 @!p2 $0x0  }
0x16: {  	s3 =	sld [smem:$0x3FDB];
	s0 =	simm.s32 @p2 $0x1  }
0x17: {  	s4 =	simm.s32 $0x1BF5;
	[smem:$0x3FB9] =	sst s0  }
0x18: {  	s0 =	sld [smem:$0x3F9C];
	_ =	swait.ge [sflag:s4], $0x0  }
0x19: {  	s7 =	sld [smem:$0x3F9D]  }
0x1a: {  	s8 =	sadd.s32 $0xFFFFE003, lr  }
0x1b: {  	s9 =	sadd.s32 $0xFFFFFEF7, lr;
	s5 =	simm.s32 $0xFFFFFFFF;
	p2 =	slt.u32 s8, $0xFFFFF086  }
0x1c: {  	p1 =	slt.u32 s9, $0xF7A;
	s5 =	simm.s32 @!p2 $0x0  }
0x1d: {  	s5 =	simm.s32 @p1 $0x1;
	p0 =	seq.s32 s7, s2  }
0x1e: {  	s7 =	smul.u32 @!p0 $0xF7A, s2;
	p2 =	seq.s32 @!p0 s5, $0x0  }
0x1f: {  	s9 =	smul.u32 $0xF7A, s1;
	s8 =	simm.s32 @!p0 $0x1BF5;
	p2 =	por !p2, p0  }
0x20: {  	[sflag:s8] =	ssyncset.s32 @!p0 $0xFFFFF086;
	s6 =	sadd.s32 @!p0 s3, s7;
	s7 =	simm.s32 @!p0 $0x108  }
0x21: {  	s3 =	sadd.s32 s3, s9;
	s6 =	sadd.s32 @!p0 $0x88, s6;
	s7 =	simm.s32 @p2 $0x1082  }
0x22: {  	[simem:s7], [sflag:s8] =	dma.local @!p0 [hbm:s6], $0xF7A  }
0x23: {  	s9 =	sor.u32 $0xD0000000, s2;
	s6 =	simm.s32 $0x108;
	_ =	swait.ge @!p0 [sflag:s8], $0x0  }
0x24: {  	s3 =	sadd.s32 $0x88, s3;
	s6 =	simm.s32 @!p1 $0x1082;
	[sflag:s4] =	ssyncset.s32 $0xFFFFF086  }
0x25: {  	[simem:s6], [sflag:s4] =	dma.local [hbm:s3], $0xF7A  }
0x26: {  	[smem:$0x3F9D] =	sst s1;
	(tag) =	ssettag s2;
	_ =	strace s9  }
0x27: {  	s1 =	sld [smem:$0x3FAD]  }
0x28: {  	s2 =	sld [smem:$0x3FAE]  }
0x29: {  	s4 =	sld [smem:$0x3FB0]  }
0x2a: {  	p0 =	seq.s32 s5, $0x0;
	s5 =	sld [smem:$0x3FB1]  }
0x2b: {  	s6 =	sld [smem:$0x3FB2]  }
0x2c: {  	s7 =	sld [smem:$0x3FB3]  }
0x2d: {  	s3 =	simm.s32 $0x108;
	s8 =	sld [smem:$0x3FB4]  }
0x2e: {  	s3 =	simm.s32 @!p0 $0x1082;
	s9 =	sld [smem:$0x3FB5]  }
0x2f: {  	lr =	sadd.s32 s0, s3;
	s0 =	sld [smem:$0x3FAC]  }
0x30: {  	s3 =	sld [smem:$0x3FAF]  }
0x31: {  	[smem:$0x3FB8] =	sst s10  }
0x32: {  	s10 =	sld [smem:$0x3FB6];
	_ =	sdelay $0x3  }
0x33: {  	p0 =	seq.s32 s10, $0x1;
	s10 =	sld [smem:$0x3FB8];
	_ =	sdelay $0x3  }
0x34: {  	[smem:$0x3FB8] =	sst s10  }
0x35: {  	s10 =	sld [smem:$0x3FB7];
	_ =	sdelay $0x3  }
0x36: {  	p1 =	seq.s32 s10, $0x1;
	s10 =	sld [smem:$0x3FB8];
	_ =	sdelay $0x3  }
0x37: {  	[smem:$0x3FB8] =	sst s10  }
0x38: {  	s10 =	sld [smem:$0x3FB9]  }
0x39: {  	_ = 	snop;
	(pc) =	sbr.ind lr, $3  }
0x3a: {  	_ = 	snop  }
0x3b: {  	_ = 	snop  }
0x3c: {  	p2 =	seq.s32 s10, $0x1;
	s10 =	sld [smem:$0x3FB8]  }
0x3d: {  	_ =	shalt  }
0x3e: {  	_ =	shalt  }
0x3f: {  	_ =	shalt  }
0x40: {  	_ =	shalt  }
0x41: {  	_ =	shalt  }
0x42: {  	_ =	shalt  }
0x43: {  	_ =	shalt  }
0x44: {  	_ =	shalt  }
0x45: {  	_ =	shalt  }
0x46: {  	_ =	shalt  }
0x47: {  	_ =	shalt  }
0x48: {  	_ =	shalt  }
0x49: {  	_ =	shalt  }
0x4a: {  	_ =	shalt  }
0x4b: {  	_ =	shalt  }
0x4c: {  	_ =	shalt  }
0x4d: {  	_ =	shalt  }
0x4e: {  	_ =	shalt  }
0x4f: {  	_ =	shalt  }
0x50: {  	_ =	shalt  }
0x51: {  	_ =	shalt  }
0x52: {  	_ =	shalt  }
0x53: {  	_ =	shalt  }
0x54: {  	_ =	shalt  }
0x55: {  	_ =	shalt  }
0x56: {  	_ =	shalt  }
0x57: {  	_ =	shalt  }
0x58: {  	_ =	shalt  }
0x59: {  	_ =	shalt  }
0x5a: {  	_ =	shalt  }
0x5b: {  	_ =	shalt  }
0x5c: {  	_ =	shalt  }
0x5d: {  	_ =	shalt  }
0x5e: {  	_ =	shalt  }
0x5f: {  	_ =	shalt  }
0x60: {  	_ =	shalt  }
0x61: {  	_ =	shalt  }
0x62: {  	_ =	shalt  }
0x63: {  	_ =	shalt  }
0x64: {  	_ =	shalt  }
0x65: {  	_ =	shalt  }
0x66: {  	_ =	shalt  }
0x67: {  	_ =	shalt  }
0x68: {  	_ =	shalt  }
0x69: {  	_ =	shalt  }
0x6a: {  	_ =	shalt  }
0x6b: {  	_ =	shalt  }
0x6c: {  	_ =	shalt  }
0x6d: {  	_ =	shalt  }
0x6e: {  	_ =	shalt  }
0x6f: {  	_ =	shalt  }
0x70: {  	_ =	shalt  }
0x71: {  	_ =	shalt  }
0x72: {  	_ =	shalt  }
0x73: {  	_ =	shalt  }
0x74: {  	_ =	shalt  }
0x75: {  	_ =	shalt  }
0x76: {  	_ =	shalt  }
0x77: {  	_ =	shalt  }
0x78: {  	_ =	shalt  }
0x79: {  	_ =	shalt  }
0x7a: {  	_ =	shalt  }
0x7b: {  	_ =	shalt  }
0x7c: {  	_ =	shalt  }
0x7d: {  	_ =	shalt  }
0x7e: {  	_ =	shalt  }
0x7f: {  	_ =	shalt  }
0x80: {  	_ =	shalt  }
0x81: {  	_ =	shalt  }
0x82: {  	_ =	shalt  }
0x83: {  	_ =	shalt  }
0x84: {  	_ =	shalt  }
0x85: {  	_ =	shalt  }
0x86: {  	_ =	shalt  }
0x87: {  	_ =	shalt  }
.Lfunc_end0:
.L_simem_size_0:
called_computation.3_lowered:
.L_overlay_start_0:
0x88: {  	s0 =	sld [smem:$0x3FD9]  }
0x89: {  	s1 =	sld [smem:$0x3FFE];
	_ =	sdelay $0x3  }
0x8a: {  	s0 =	sadd.s32 s1, s0  }
0x8b: {  	[smem:$0x3FC4] =	sst s0  }
0x8c: {  	_ = 	snop  }
0x8d: {  	(tm) =	ssettm $0x1  }
0x8e: {  	s15 =	sld [smem:$0x3FFB];
	_ =	sdelay $0x3  }
0x8f: {  	_ =	strace s15  }
0x90: {  	s0 =	sld [smem:$0x3FFC];
	_ =	sdelay $0x3  }
0x91: {  	_ =	strace s0  }
0x92: {  	s0 =	sld [smem:$0x3FFD];
	_ =	sdelay $0x3  }
0x93: {  	_ =	strace s0  }
0x94: {  	_ =	strace $0x8FFFFFFF  }
0x95: {  	s16 =	sld [smem:$0x3FDB];
	_ =	sdelay $0x1  }
0x96: {  	s17 =	simm.s32 $_scs_section_size  }
0x97: {  	s2 =	simm.s32 $_size__tile_overlayer_lowered;
	s3 =	simm.s32 $_tile_overlayer_lowered  }
0x98: {  	s20 =	simm.s32 $0x1BFF;
	s19 =	sshll.u32 s3, $0x1;
	s0 =	sadd.s32 s17, s16  }
0x99: {  	s4 =	simm.s32 $0x0;
	s18 =	sshll.u32 s2, $0x1;
	s2 =	sadd.s32 s19, s0  }
0x9a: {  	[timem:s4], [sflag:s20] =	dma.local [hbm:s2], s18  }
0x9b: {  	_ =	swait.ge [sflag:s20], s18  }
0x9c: {  	s1 =	ssub.s32 $0x0, s18;
	[sflag:s20] =	ssyncset.done $0x0  }
0x9d: {  	[sflag:s20] =	ssyncadd.s32 s1;
	_ =	sdelay $0x1  }
0x9e: {  	s21 =	simm.s32 $0x1B8B  }
0x9f: {  	_ =	swait.ge [sflag:s21], $0x1  }
0xa0: {  	[sflag:s21] =	ssyncset.done $0x0  }
0xa1: {  	s23 =	simm.s32 $0x1B8E;
	s22 =	sld [smem:$0x3FFE];
	[sflag:s21] =	ssyncadd.s32 $0xFFFFFFFF  }
0xa2: {  	s24 =	simm.s32 $execute0_lowered;
	[smem:$0x3FD2] =	sst s23  }
0xa3: {  	s2 =	sshll.u32 s24, $0x1;
	_ =	strace $0x80000052;
	[dreg:$0x1] =	wrdreg $0xFFFFFFFF  }
0xa4: {  	s25 =	simm.s32 $_size_execute0_lowered;
	s0 =	sadd.s32 s0, s2;
	[dreg:$0x0] =	wrdreg $0x0  }
0xa5: {  	s2 =	sshll.u32 s25, $0x1;
	[dreg:$0x2] =	wrdreg s0  }
0xa6: {  	[dreg:$0x3] =	wrdreg s2  }
0xa7: {  	[dreg:$0x4] =	wrdreg $0xC0  }
0xa8: {  	_ =	task [dreg:s4], $0x5FFFF  }
0xa9: {  	[dreg:$0x1] =	wrdreg $0xFFFFFFFF  }
0xaa: {  	[dreg:$0x0] =	wrdreg $0x60  }
0xab: {  	[dreg:$0x2] =	wrdreg s22  }
0xac: {  	[dreg:$0x3] =	wrdreg $0xA  }
0xad: {  	_ =	task.clear_ibuf [dreg:s4], $0x4FFFF;
	_ =	strace $0x90000052  }
0xae: {  	s26 =	simm.s32 $0xA;
	_ =	strace $0x80000054  }
0xaf: {  	_ =	swait.ge [sflag:s26], $0x1  }
0xb0: {  	[sflag:s26] =	ssyncadd.s32 $0xFFFFFFFF  }
0xb1: {  	_ =	strace $0x90000054  }
0xb2: {  	_ =	sfence  }
0xb3: {  	s28 =	sld [smem:$0x0];
	_ =	sdelay $0x1  }
0xb4: {  	s29 =	srdreg.scid  }
0xb5: {  	s30 =	sshll.u32 s29, $0xD;
	s31 =	sshrl.u32 s29, $0x2  }
0xb6: {  	s1 =	sand.u32 $0x1, s29;
	s2 =	sand.u32 $0x4000, s30;
	s0 =	sadd.s32 s31, s28  }
0xb7: {  	s1 =	sor.u32 s2, s1;
	s0 =	sshll.u32 s0, $0x11  }
0xb8: {  	s0 =	sor.u32 s0, s1  }
0xb9: {  	s0 =	sadd.s32 $0x8F2B, s0  }
0xba: {  	[sflag:s0] =	ssyncadd.remote.s32 $0x1  }
0xbb: {  	_ =	sfence.sel $0xFFFF  }
0xbc: {  	[dreg:$0x0] =	wrdreg $0xFFFFFFFF;
	(pc) =	sbr.abs _section_cstart, $3  }
0xbd: {  	[dreg:$0x1] =	wrdreg $0xFFFFFFFF  }
0xbe: {  	_ =	task.clear_ibuf [dreg:s4], $0x2FFFF;
	_ =	strace $0x9FFFFFFF  }
0xbf: {  	(tm) =	ssettm $0x7FFFFFFF  }
tec
execute0_lowered:
.L_overlay_start_1:
0x0: {  	(tag) =	ssettag $0x1  }
0x1: {  	s8 =	rddreg [dreg:$0x0]  }
0x2: {  	s0 =	rddreg [dreg:$0x1];
	_ =	strace $0x80000053  }
0x3: {  	s1 =	stileid.u32;
	s5 =	simm.s32 $0x1;
	s6 =	simm.s32 $0x500  }
0x4: {  	s9 =	simm.s32 $0x1;
	s10 =	simm.s32 $0x3;
	s13 =	simm.s32 $0x0  }
0x5: {  	s12 =	simm.s32 $0x0;
	s2 =	sadd.s32 $0x200, s8;
	s4 =	smul.u32 $0x50, s1  }
0x6: {  	s3 =	sadd.s32 $0x400, s8;
	p0 =	slt.u32 s1, $0xA;
	[sflag:s5] =	ssyncpa.u1 $0x0  }
.Ltmp0:
0x7: {  	s6 =	simm.s32 @!p0 $0x0;
	s7 =	ssub.s32 $0x7D0, s4;
	(pc) =	sbr.rel .LBB2_1-.Ltmp0, $4  }
0x8: {  	s9 =	simm.s32 @!p0 $0x0;
	p0 =	sne.s32 s7, s6;
	s7 =	simm.s32 $0x1  }
0x9: {  	s8 =	sadd.s32 $0x8400, s8;
	s6 =	simm.s32 $0x2;
	s7 =	simm.s32 @!p0 $0x0  }
0xa: {  	s11 =	smov.u32 s4;
	[sflag:s6] =	ssyncpa.u1 $0x0;
	s7 =	sadd.s32 s9, s7  }
0xb: {  	vm0 =	vmmov $0xffff;
	[sflag:s10] =	ssyncpa.u1 $0x0;
	s10 =	simm.s32 $0x0;
	s9 =	sadd.s32 $0x1, s7  }
.LBB2_4:
0xc: {  	v5 =	vld.msk [tilespmem:s18+$0x0 ss:$0x1], $0xffff  }
0xd: {  	v6 =	vand.u32 $0x1, v1;
	v7 =	vshrl.u32 v1, $0x1  }
0xe: {  	v3 =	vor.u32 v4, v3;
	vm1 =	veq.s32 v1, $0x80000000;
	v53 =	vand.u32 $0x3FF, v7  }
0xf: {  	v2 =	vor.u32 v2, v3;
	v54 =	vsel vm1, $0xFFFFFFFF, v6;
	v1 =	vsel vm1, $0xFFFFFFFF, v53  }
0x10: {  	v6 =	vshll.u32 v54, $0x7;
	v3 =	vand.u32 $0xFFFFF800, v54;
	v55 =	vand.u32 $0x7F, v1  }
0x11: {  	v1 =	vshll.u32 v1, $0x1;
	v6 =	vand.u32 $0x80, v6;
	v56 =	vshrl.u32 v5, $0x1  }
0x12: {  	v1 =	vand.u32 $0xFFFFFF00, v1;
	vm1 =	veq.s32 v5, $0x80000000;
	v57 =	vand.u32 $0x3FF, v56  }
0x13: {  	v1 =	vadd.s32 v3, v1;
	v5 =	vand.u32 $0x1, v5;
	v3 =	vsel vm1, $0xFFFFFFFF, v57  }
0x14: {  	v1 =	vor.u32 v6, v1;
	v5 =	vsel vm1, $0xFFFFFFFF, v5;
	v58 =	vshll.u32 v3, $0x1  }
0x15: {  	v59 =	vshll.u32 v5, $0x7;
	v5 =	vand.u32 $0xFFFFF800, v5;
	v6 =	vand.u32 $0xFFFFFF00, v58  }
0x16: {  	v1 =	vor.u32 v55, v1;
	v61 =	vand.u32 $0x80, v59;
	v60 =	vadd.s32 v5, v6  }
0x17: {  	[tilespmem:s16], [sflag:$0x1] =	stream.indirect_vreg.gather [hbm4b:s2+s10], $0x1, v0, vm0, $0x4038;
	v62 =	vand.u32 $0x7F, v3;
	v63 =	vor.u32 v61, v60;
	[tilespmem:$0x140] =	vst v63  }
0x18: {  	(ifvalue) =	ssetifvalue $0x7FFFFFFF;
	v0 =	vor.u32 v62, v63  }
0x19: {  	[tilespmem:s15], [sflag:$0x1] =	stream.indirect_vreg.gather [hbm4b:s2+s10], $0x1, v2, vm0, $0x4038;
	[tilespmem:$0x140] =	vst v63  }
0x1a: {  	s29 =	sadd.s32 $0x10, s15;
	(ifvalue) =	ssetifvalue $0x7FFFFFFF  }
0x1b: {  	[tilespmem:s29], [sflag:$0x1] =	stream.indirect_vreg.gather [hbm4b:s2+s10], $0x1, v1, vm0, $0x4038;
	[tilespmem:$0x140] =	vst v63  }
0x1c: {  	s15 =	sadd.s32 $0x10, s29;
	(ifvalue) =	ssetifvalue $0x7FFFFFFF  }
0x1d: {  	[tilespmem:s15], [sflag:$0x1] =	stream.indirect_vreg.gather [hbm4b:s2+s10], $0x1, v0, vm0, $0x4038;
	[tilespmem:$0x140] =	vst v63  }
0x1e: {  	_ =	swait.ge [sflag:s5], $0x50  }
0x1f: {  	s30 =	sshrl.u32 s13, $0x3;
	[sflag:s5] =	ssyncset.done $0x0  }
0x20: {  	s31 =	sand.u32 $0x7, s13;
	s15 =	sadd.s32 s8, s30;
	[sflag:s5] =	ssyncadd.s32 $0xFFFFFFB0  }
0x21: {  	[hbm4b:s15+s31] =	stream.linear.scatter [tilespmem:s14], [sflag:$0x3], $0x50, $0x38;
	[tilespmem:$0x140] =	vst v63  }
.LBB2_5:
0x22: {  	s15 =	sadd.s32 $0x500, s11  }
0x23: {  	p1 =	sgt.s32 s15, $0x7CF  }
0x24: {  	s15 =	smov.u32 @p1 s4;
	p1 =	sne.s32 s12, s9  }
.Ltmp1:
0x25: {  	p0 =	slt.u32 s12, $0x2;
	(pc) =	sbr.rel @!p1 .LBB2_6-.Ltmp1, $4  }
0x26: {  	s14 =	simm.s32 @!p0 $0x3  }
0x27: {  	_ =	swait.ge @!p0 [sflag:s14], $0x50  }
0x28: {  	s16 =	sadd.s32 $0x1, s12;
	s13 =	smov.u32 s11;
	[sflag:s14] =	ssyncset.done @!p0 $0x0  }
0x29: {  	s12 =	smov.u32 s16;
	s11 =	smov.u32 s15;
	[sflag:s14] =	ssyncadd.s32 @!p0 $0xFFFFFFB0  }
.LBB2_1:
0x2a: {  	p0 =	sge.u32 s12, s7  }
0x2b: {  	s14 =	sxor.u32 @!p0 $0x1, s12  }
0x2c: {  	s14 =	smul.u32 @!p0 $0x140, s14  }
0x2d: {  	s31 =	sadd.s32 $0xFFFFFFFF, s12;
	s15 =	sshrl.u32 @!p0 s11, $0x3  }
0x2e: {  	s16 =	sand.u32 @!p0 $0x7, s11;
	s15 =	sadd.s32 @!p0 s3, s15;
	s14 =	sshra.s32 @!p0 s14, $0x2  }
0x2f: {  	[tilespmem:s14], [sflag:$0x2] =	stream.linear.gather @!p0 [hbm4b:s15+s16], $0x50, $0x38;
	[tilespmem:$0x140] =	vst v63  }
0x30: {  	p0 =	sge.u32 s31, s7  }
.Ltmp2:
0x31: {  	_ = 	snop;
	(pc) =	sbr.rel @p0 .LBB2_5-.Ltmp2, $1  }
0x32: {  	_ =	sdelay $0x3  }
0x33: {  	s14 =	sand.u32 $0x1, s12  }
0x34: {  	_ =	swait.ge [sflag:s6], $0x50;
	p0 =	seq.s32 s14, $0x1;
	s14 =	simm.s32 $0x50  }
0x35: {  	[sflag:s6] =	ssyncset.done $0x0;
	s14 =	simm.s32 @!p0 $0x0  }
0x36: {  	[sflag:s6] =	ssyncadd.s32 $0xFFFFFFB0;
	(ifvalue) =	ssetifvalue $0x7FFFFFFF;
	v0 =	vld.msk [tilespmem:s14+$0x0 ss:$0x1], $0xffff;
	_ =	sdelay $0x4  }
0x37: {  	s15 =	sadd.s32 $0x10, s14;
	v2 =	vshrl.u32 v0, $0x1  }
0x38: {  	v1 =	vld.msk [tilespmem:s15+$0x0 ss:$0x1], $0xffff;
	vm1 =	veq.s32 v0, $0x80000000;
	v2 =	vand.u32 $0x3FF, v2  }
0x39: {  	v0 =	vand.u32 $0x1, v0;
	v2 =	vsel vm1, $0xFFFFFFFF, v2  }
0x3a: {  	v0 =	vsel vm1, $0xFFFFFFFF, v0;
	v3 =	vshll.u32 v2, $0x1  }
0x3b: {  	v4 =	vand.u32 $0xFFFFF800, v0;
	v0 =	vshll.u32 v0, $0x7;
	v3 =	vand.u32 $0xFFFFFF00, v3  }
0x3c: {  	v0 =	vand.u32 $0x80, v0;
	v3 =	vadd.s32 v4, v3  }
0x3d: {  	v2 =	vand.u32 $0x7F, v2;
	v4 =	vshrl.u32 v1, $0x1;
	v0 =	vor.u32 v0, v3  }
0x3e: {  	vm1 =	veq.s32 v1, $0x80000000;
	v4 =	vand.u32 $0x3FF, v4;
	v0 =	vor.u32 v2, v0  }
0x3f: {  	s15 =	sadd.s32 $0x10, s15;
	v1 =	vand.u32 $0x1, v1;
	v3 =	vsel vm1, $0xFFFFFFFF, v4  }
0x40: {  	s14 =	sor.u32 $0xA0, s14;
	v2 =	vsel vm1, $0xFFFFFFFF, v1;
	v1 =	vld.msk [tilespmem:s15+$0x0 ss:$0x1], $0xffff;
	v4 =	vshll.u32 v3, $0x1  }
0x41: {  	s17 =	simm.s32 $0x30;
	s16 =	smov.u32 s14;
	v5 =	vshll.u32 v2, $0x7;
	v6 =	vand.u32 $0xFFFFF800, v2;
	v4 =	vand.u32 $0xFFFFFF00, v4  }
0x42: {  	s18 =	sadd.s32 $0x10, s15;
	(ifvalue) =	ssetifvalue $0x7FFFFFFF;
	s15 =	sadd.s32 $0x10, s14;
	v2 =	vand.u32 $0x7F, v3;
	v3 =	vadd.s32 v6, v4;
	v4 =	vand.u32 $0x80, v5  }
.LBB2_3:
0x43: {  	[tilespmem:s16], [sflag:$0x1] =	stream.indirect_vreg.gather [hbm4b:s2+s10], $0x1, v0, vm0, $0x4038;
	[tilespmem:$0x140] =	vst v63  }
0x44: {  	s17 =	sadd.s32 $0x10, s17  }
0x45: {  	v5 =	vand.u32 $0x1, v1;
	v6 =	vshrl.u32 v1, $0x1;
	v3 =	vor.u32 v4, v3;
	v0 =	vmovc v1;
	v1 =	vld.msk [tilespmem:s18+$0x0 ss:$0x1], $0xffff;
	p0 =	slt.u32 s17, $0x40  }
.Ltmp3:
0x46: {  	s16 =	smov.u32 s15;
	vm1 =	veq.s32 v0, $0x80000000;
	v4 =	vand.u32 $0x3FF, v6;
	v0 =	vor.u32 v2, v3;
	(pc) =	sbr.rel @p0 .LBB2_3-.Ltmp3, $4  }
0x47: {  	v3 =	vsel vm1, $0xFFFFFFFF, v5;
	v4 =	vsel vm1, $0xFFFFFFFF, v4  }
0x48: {  	v2 =	vand.u32 $0x7F, v4;
	v4 =	vshll.u32 v4, $0x1;
	v5 =	vshll.u32 v3, $0x7  }
0x49: {  	v3 =	vand.u32 $0xFFFFF800, v3;
	v4 =	vand.u32 $0xFFFFFF00, v4  }
0x4a: {  	s18 =	sadd.s32 $0x10, s18;
	s15 =	sadd.s32 $0x10, s15;
	v3 =	vadd.s32 v3, v4;
	v4 =	vand.u32 $0x80, v5;
	(ifvalue) =	ssetifvalue $0x7FFFFFFF  }
.Ltmp4:
0x4b: {  	_ = 	snop;
	(pc) =	sbr.rel .LBB2_4-.Ltmp4, $1  }
0x4c: {  	_ =	sdelay $0x3  }
.LBB2_6:
0x4d: {  	_ =	sfence.sel $0x180000  }
0x4e: {  	s2 =	simm.s32 $0x2;
	[bflag:$0x0] =	sbarrier.arrive $0xFFFF  }
0x4f: {  	s30 =	simm.s32 $0x3;
	[sflag:s2] =	ssyncpa.u1 $0x1  }
0x50: {  	s31 =	simm.s32 $0x1;
	[sflag:s30] =	ssyncpa.u1 $0x1  }
0x51: {  	[sflag:s31] =	ssyncpa.u1 $0x1  }
0x52: {  	p0 =	sne.s32 s1, $0x0;
	_ =	strace $0x90000053  }
0x53: {  	s0 =	sadd.s32 @!p0 $0x100000, s0;
	[bflag:$0x2] =	sbarrier.arrive $0xFFFF  }
0x54: {  	[sflag:s0] =	ssyncadd.tile.s32 @!p0 $0x1;
	_ =	shalt  }
.Lfunc_end2:
_tile_overlayer_lowered:
.L_overlay_start_2:
0x55: {  	(tag) =	ssettag $0x2  }
0x56: {  	s0 =	rddreg [dreg:$0x0];
	s2 =	stileid.u32  }
0x57: {  	s1 =	rddreg [dreg:$0x1];
	p0 =	sne.s32 s2, $0x0  }
0x58: {  	s3 =	rddreg [dreg:$0x2];
	[bflag:$0x3] =	sbarrier.arrive $0xFFFF;
	s2 =	simm.s32 @!p0 $0x1C01  }
0x59: {  	[timem:s3], [sflag:s2] =	dma.local @!p0 [hbm:s0], s1  }
0x5a: {  	s0 =	simm.s32 @!p0 $0x1  }
0x5b: {  	_ =	swait.ge @!p0 [sflag:s0], s1  }
0x5c: {  	s1 =	ssub.s32 @!p0 $0x0, s1;
	[sflag:s0] =	ssyncset.done @!p0 $0x0  }
0x5d: {  	[sflag:s0] =	ssyncadd.s32 @!p0 s1  }
0x5e: {  	[bflag:$0x3] =	sbarrier.arrive $0xFFFF  }
0x5f: {  	_ =	shalt  }

// kernel: gather_offload_async_start.4
scs
__scs_entry_jumppad:
0x0: {  	(pc) =	sbr.rel $0x88, $3  }
0x1: {  	(tag) =	ssettag $0x0;
	lr =	simm.s32 $0x1  }
0x2: {  	[smem:$0x3F9D] =	sst lr;
	_ =	strace $0xD0000000  }
0x3: {  	_ = 	snop  }
0x4: {  	_ = 	snop  }
0x5: {  	_ = 	snop  }
0x6: {  	_ = 	snop  }
0x7: {  	_ = 	snop  }
__scs_overlays_trampoline_lowered:
0x8: {  	[smem:$0x3FAC] =	sst s0  }
0x9: {  	[smem:$0x3FAD] =	sst s1  }
0xa: {  	[smem:$0x3FAE] =	sst s2  }
0xb: {  	[smem:$0x3FAF] =	sst s3  }
0xc: {  	[smem:$0x3FB0] =	sst s4  }
0xd: {  	[smem:$0x3FB1] =	sst s5  }
0xe: {  	[smem:$0x3FB2] =	sst s6  }
0xf: {  	[smem:$0x3FB3] =	sst s7  }
0x10: {  	[smem:$0x3FB4] =	sst s8  }
0x11: {  	[smem:$0x3FB5] =	sst s9;
	s0 =	simm.s32 @!p0 $0x0  }
0x12: {  	s1 =	sld [smem:$0x3F9B];
	s0 =	simm.s32 @p0 $0x1  }
0x13: {  	[smem:$0x3FB6] =	sst s0;
	s0 =	simm.s32 @!p1 $0x0  }
0x14: {  	s2 =	sld [smem:$0x3F9A];
	s0 =	simm.s32 @p1 $0x1  }
0x15: {  	[smem:$0x3FB7] =	sst s0;
	s0 =	simm.s32 @!p2 $0x0  }
0x16: {  	s3 =	sld [smem:$0x3FDB];
	s0 =	simm.s32 @p2 $0x1  }
0x17: {  	s4 =	simm.s32 $0x1BF5;
	[smem:$0x3FB9] =	sst s0  }
0x18: {  	s0 =	sld [smem:$0x3F9C];
	_ =	swait.ge [sflag:s4], $0x0  }
0x19: {  	s7 =	sld [smem:$0x3F9D]  }
0x1a: {  	s8 =	sadd.s32 $0xFFFFE003, lr  }
0x1b: {  	s9 =	sadd.s32 $0xFFFFFEF7, lr;
	s5 =	simm.s32 $0xFFFFFFFF;
	p2 =	slt.u32 s8, $0xFFFFF086  }
0x1c: {  	p1 =	slt.u32 s9, $0xF7A;
	s5 =	simm.s32 @!p2 $0x0  }
0x1d: {  	s5 =	simm.s32 @p1 $0x1;
	p0 =	seq.s32 s7, s2  }
0x1e: {  	s7 =	smul.u32 @!p0 $0xF7A, s2;
	p2 =	seq.s32 @!p0 s5, $0x0  }
0x1f: {  	s9 =	smul.u32 $0xF7A, s1;
	s8 =	simm.s32 @!p0 $0x1BF5;
	p2 =	por !p2, p0  }
0x20: {  	[sflag:s8] =	ssyncset.s32 @!p0 $0xFFFFF086;
	s6 =	sadd.s32 @!p0 s3, s7;
	s7 =	simm.s32 @!p0 $0x108  }
0x21: {  	s3 =	sadd.s32 s3, s9;
	s6 =	sadd.s32 @!p0 $0x88, s6;
	s7 =	simm.s32 @p2 $0x1082  }
0x22: {  	[simem:s7], [sflag:s8] =	dma.local @!p0 [hbm:s6], $0xF7A  }
0x23: {  	s9 =	sor.u32 $0xD0000000, s2;
	s6 =	simm.s32 $0x108;
	_ =	swait.ge @!p0 [sflag:s8], $0x0  }
0x24: {  	s3 =	sadd.s32 $0x88, s3;
	s6 =	simm.s32 @!p1 $0x1082;
	[sflag:s4] =	ssyncset.s32 $0xFFFFF086  }
0x25: {  	[simem:s6], [sflag:s4] =	dma.local [hbm:s3], $0xF7A  }
0x26: {  	[smem:$0x3F9D] =	sst s1;
	(tag) =	ssettag s2;
	_ =	strace s9  }
0x27: {  	s1 =	sld [smem:$0x3FAD]  }
0x28: {  	s2 =	sld [smem:$0x3FAE]  }
0x29: {  	s4 =	sld [smem:$0x3FB0]  }
0x2a: {  	p0 =	seq.s32 s5, $0x0;
	s5 =	sld [smem:$0x3FB1]  }
0x2b: {  	s6 =	sld [smem:$0x3FB2]  }
0x2c: {  	s7 =	sld [smem:$0x3FB3]  }
0x2d: {  	s3 =	simm.s32 $0x108;
	s8 =	sld [smem:$0x3FB4]  }
0x2e: {  	s3 =	simm.s32 @!p0 $0x1082;
	s9 =	sld [smem:$0x3FB5]  }
0x2f: {  	lr =	sadd.s32 s0, s3;
	s0 =	sld [smem:$0x3FAC]  }
0x30: {  	s3 =	sld [smem:$0x3FAF]  }
0x31: {  	[smem:$0x3FB8] =	sst s10  }
0x32: {  	s10 =	sld [smem:$0x3FB6];
	_ =	sdelay $0x3  }
0x33: {  	p0 =	seq.s32 s10, $0x1;
	s10 =	sld [smem:$0x3FB8];
	_ =	sdelay $0x3  }
0x34: {  	[smem:$0x3FB8] =	sst s10  }
0x35: {  	s10 =	sld [smem:$0x3FB7];
	_ =	sdelay $0x3  }
0x36: {  	p1 =	seq.s32 s10, $0x1;
	s10 =	sld [smem:$0x3FB8];
	_ =	sdelay $0x3  }
0x37: {  	[smem:$0x3FB8] =	sst s10  }
0x38: {  	s10 =	sld [smem:$0x3FB9]  }
0x39: {  	_ = 	snop;
	(pc) =	sbr.ind lr, $3  }
0x3a: {  	_ = 	snop  }
0x3b: {  	_ = 	snop  }
0x3c: {  	p2 =	seq.s32 s10, $0x1;
	s10 =	sld [smem:$0x3FB8]  }
0x3d: {  	_ =	shalt  }
0x3e: {  	_ =	shalt  }
0x3f: {  	_ =	shalt  }
0x40: {  	_ =	shalt  }
0x41: {  	_ =	shalt  }
0x42: {  	_ =	shalt  }
0x43: {  	_ =	shalt  }
0x44: {  	_ =	shalt  }
0x45: {  	_ =	shalt  }
0x46: {  	_ =	shalt  }
0x47: {  	_ =	shalt  }
0x48: {  	_ =	shalt  }
0x49: {  	_ =	shalt  }
0x4a: {  	_ =	shalt  }
0x4b: {  	_ =	shalt  }
0x4c: {  	_ =	shalt  }
0x4d: {  	_ =	shalt  }
0x4e: {  	_ =	shalt  }
0x4f: {  	_ =	shalt  }
0x50: {  	_ =	shalt  }
0x51: {  	_ =	shalt  }
0x52: {  	_ =	shalt  }
0x53: {  	_ =	shalt  }
0x54: {  	_ =	shalt  }
0x55: {  	_ =	shalt  }
0x56: {  	_ =	shalt  }
0x57: {  	_ =	shalt  }
0x58: {  	_ =	shalt  }
0x59: {  	_ =	shalt  }
0x5a: {  	_ =	shalt  }
0x5b: {  	_ =	shalt  }
0x5c: {  	_ =	shalt  }
0x5d: {  	_ =	shalt  }
0x5e: {  	_ =	shalt  }
0x5f: {  	_ =	shalt  }
0x60: {  	_ =	shalt  }
0x61: {  	_ =	shalt  }
0x62: {  	_ =	shalt  }
0x63: {  	_ =	shalt  }
0x64: {  	_ =	shalt  }
0x65: {  	_ =	shalt  }
0x66: {  	_ =	shalt  }
0x67: {  	_ =	shalt  }
0x68: {  	_ =	shalt  }
0x69: {  	_ =	shalt  }
0x6a: {  	_ =	shalt  }
0x6b: {  	_ =	shalt  }
0x6c: {  	_ =	shalt  }
0x6d: {  	_ =	shalt  }
0x6e: {  	_ =	shalt  }
0x6f: {  	_ =	shalt  }
0x70: {  	_ =	shalt  }
0x71: {  	_ =	shalt  }
0x72: {  	_ =	shalt  }
0x73: {  	_ =	shalt  }
0x74: {  	_ =	shalt  }
0x75: {  	_ =	shalt  }
0x76: {  	_ =	shalt  }
0x77: {  	_ =	shalt  }
0x78: {  	_ =	shalt  }
0x79: {  	_ =	shalt  }
0x7a: {  	_ =	shalt  }
0x7b: {  	_ =	shalt  }
0x7c: {  	_ =	shalt  }
0x7d: {  	_ =	shalt  }
0x7e: {  	_ =	shalt  }
0x7f: {  	_ =	shalt  }
0x80: {  	_ =	shalt  }
0x81: {  	_ =	shalt  }
0x82: {  	_ =	shalt  }
0x83: {  	_ =	shalt  }
0x84: {  	_ =	shalt  }
0x85: {  	_ =	shalt  }
0x86: {  	_ =	shalt  }
0x87: {  	_ =	shalt  }
.Lfunc_end0:
.L_simem_size_0:
called_computation.4_lowered:
.L_overlay_start_0:
0x88: {  	s0 =	sld [smem:$0x3FD9]  }
0x89: {  	s1 =	sld [smem:$0x3FFE];
	_ =	sdelay $0x3  }
0x8a: {  	s0 =	sadd.s32 s1, s0  }
0x8b: {  	[smem:$0x3FC4] =	sst s0  }
0x8c: {  	_ = 	snop  }
0x8d: {  	(tm) =	ssettm $0x1  }
0x8e: {  	s15 =	sld [smem:$0x3FFB];
	_ =	sdelay $0x3  }
0x8f: {  	_ =	strace s15  }
0x90: {  	s0 =	sld [smem:$0x3FFC];
	_ =	sdelay $0x3  }
0x91: {  	_ =	strace s0  }
0x92: {  	s0 =	sld [smem:$0x3FFD];
	_ =	sdelay $0x3  }
0x93: {  	_ =	strace s0  }
0x94: {  	_ =	strace $0x8FFFFFFF  }
0x95: {  	s16 =	sld [smem:$0x3FDB];
	_ =	sdelay $0x1  }
0x96: {  	s17 =	simm.s32 $_scs_section_size  }
0x97: {  	s2 =	simm.s32 $_size__tile_overlayer_lowered;
	s3 =	simm.s32 $_tile_overlayer_lowered  }
0x98: {  	s20 =	simm.s32 $0x1BFF;
	s19 =	sshll.u32 s3, $0x1;
	s0 =	sadd.s32 s17, s16  }
0x99: {  	s4 =	simm.s32 $0x0;
	s18 =	sshll.u32 s2, $0x1;
	s2 =	sadd.s32 s19, s0  }
0x9a: {  	[timem:s4], [sflag:s20] =	dma.local [hbm:s2], s18  }
0x9b: {  	_ =	swait.ge [sflag:s20], s18  }
0x9c: {  	s1 =	ssub.s32 $0x0, s18;
	[sflag:s20] =	ssyncset.done $0x0  }
0x9d: {  	[sflag:s20] =	ssyncadd.s32 s1;
	_ =	sdelay $0x1  }
0x9e: {  	s21 =	simm.s32 $0x1B8B  }
0x9f: {  	_ =	swait.ge [sflag:s21], $0x1  }
0xa0: {  	[sflag:s21] =	ssyncset.done $0x0  }
0xa1: {  	s23 =	simm.s32 $0x1B8E;
	s22 =	sld [smem:$0x3FFE];
	[sflag:s21] =	ssyncadd.s32 $0xFFFFFFFF  }
0xa2: {  	s24 =	simm.s32 $execute0_lowered;
	[smem:$0x3FD2] =	sst s23  }
0xa3: {  	s2 =	sshll.u32 s24, $0x1;
	_ =	strace $0x80000055;
	[dreg:$0x1] =	wrdreg $0xFFFFFFFF  }
0xa4: {  	s25 =	simm.s32 $_size_execute0_lowered;
	s0 =	sadd.s32 s0, s2;
	[dreg:$0x0] =	wrdreg $0x0  }
0xa5: {  	s2 =	sshll.u32 s25, $0x1;
	[dreg:$0x2] =	wrdreg s0  }
0xa6: {  	[dreg:$0x3] =	wrdreg s2  }
0xa7: {  	[dreg:$0x4] =	wrdreg $0xC0  }
0xa8: {  	_ =	task [dreg:s4], $0x5FFFF  }
0xa9: {  	[dreg:$0x1] =	wrdreg $0xFFFFFFFF  }
0xaa: {  	[dreg:$0x0] =	wrdreg $0x60  }
0xab: {  	[dreg:$0x2] =	wrdreg s22  }
0xac: {  	[dreg:$0x3] =	wrdreg $0x9  }
0xad: {  	_ =	task.clear_ibuf [dreg:s4], $0x4FFFF;
	_ =	strace $0x90000055  }
0xae: {  	s26 =	simm.s32 $0x9;
	_ =	strace $0x80000057  }
0xaf: {  	_ =	swait.ge [sflag:s26], $0x1  }
0xb0: {  	[sflag:s26] =	ssyncadd.s32 $0xFFFFFFFF  }
0xb1: {  	_ =	strace $0x90000057  }
0xb2: {  	_ =	sfence  }
0xb3: {  	s28 =	sld [smem:$0x0];
	_ =	sdelay $0x1  }
0xb4: {  	s29 =	srdreg.scid  }
0xb5: {  	s30 =	sshll.u32 s29, $0xD;
	s31 =	sshrl.u32 s29, $0x2  }
0xb6: {  	s1 =	sand.u32 $0x1, s29;
	s2 =	sand.u32 $0x4000, s30;
	s0 =	sadd.s32 s31, s28  }
0xb7: {  	s1 =	sor.u32 s2, s1;
	s0 =	sshll.u32 s0, $0x11  }
0xb8: {  	s0 =	sor.u32 s0, s1  }
0xb9: {  	s0 =	sadd.s32 $0x8F2B, s0  }
0xba: {  	[sflag:s0] =	ssyncadd.remote.s32 $0x1  }
0xbb: {  	_ =	sfence.sel $0xFFFF  }
0xbc: {  	[dreg:$0x0] =	wrdreg $0xFFFFFFFF;
	(pc) =	sbr.abs _section_cstart, $3  }
0xbd: {  	[dreg:$0x1] =	wrdreg $0xFFFFFFFF  }
0xbe: {  	_ =	task.clear_ibuf [dreg:s4], $0x2FFFF;
	_ =	strace $0x9FFFFFFF  }
0xbf: {  	(tm) =	ssettm $0x7FFFFFFF  }
tec
execute0_lowered:
.L_overlay_start_1:
0x0: {  	(tag) =	ssettag $0x1  }
0x1: {  	s0 =	stileid.u32  }
0x2: {  	s1 =	smin.u32 s0, $0x9  }
0x3: {  	s1 =	sadd.s32 s0, s1  }
0x4: {  	p0 =	slt.u32 s0, $0x9;
	s2 =	smul.u32 $0x50, s1;
	s1 =	simm.s32 $0xA0  }
0x5: {  	s1 =	simm.s32 @!p0 $0x50  }
0x6: {  	s1 =	sadd.s32 s1, s2  }
0x7: {  	s3 =	smin.u32 s1, $0x7D0  }
0x8: {  	s7 =	ssub.s32 s3, s2  }
0x9: {  	p0 =	sgt.s32 s7, $0x0  }
0xa: {  	s7 =	simm.s32 @!p0 $0x0  }
0xb: {  	s31 =	smul.u32 $0xCCCD, s7  }
0xc: {  	s9 =	rddreg [dreg:$0x0];
	s6 =	simm.s32 $0x1;
	s11 =	simm.s32 $0x3  }
0xd: {  	s13 =	simm.s32 $0x0;
	s12 =	simm.s32 $0x0;
	s8 =	sshrl.u32 s31, $0x16  }
0xe: {  	s4 =	sadd.s32 $0x600, s9;
	s5 =	sadd.s32 $0x400, s9;
	s10 =	smul.u32 $0x50, s8  }
.Ltmp0:
0xf: {  	s9 =	sadd.s32 $0x8400, s9;
	s1 =	rddreg [dreg:$0x1];
	(pc) =	sbr.rel .LBB2_1-.Ltmp0, $4  }
0x10: {  	_ =	strace $0x80000056;
	p0 =	sne.s32 s7, s10;
	s10 =	simm.s32 $0x1  }
0x11: {  	[sflag:s6] =	ssyncpa.u1 $0x0;
	s7 =	simm.s32 $0x2;
	s10 =	simm.s32 @!p0 $0x0  }
0x12: {  	[sflag:s7] =	ssyncpa.u1 $0x0;
	p0 =	por $0x0, $0x0;
	s8 =	sadd.s32 s8, s10  }
0x13: {  	v0 =	vimm.s32 $0x0;
	vm0 =	vmmov $0xff;
	vm1 =	vcmask $0x3F20;
	[sflag:s11] =	ssyncpa.u1 $0x0;
	s11 =	smov.u32 s2;
	s10 =	sadd.s32 $0x1, s8  }
.LBB2_6:
0x14: {  	[hbm:s17] =	stream.linear.scatter [tilespmem:s14], [sflag:$0x3], $0x400, $0x38;
	[tilespmem:$0x50A0] =	vst v63  }
.LBB2_7:
0x15: {  	s13 =	sadd.s32 $0x50, s11  }
0x16: {  	s15 =	smov.u32 s2;
	p2 =	slt.s32 s13, s3  }
0x17: {  	s15 =	smov.u32 @p2 s13;
	p2 =	sne.s32 s12, s10  }
.Ltmp1:
0x18: {  	p1 =	slt.u32 s12, $0x2;
	(pc) =	sbr.rel @!p2 .LBB2_8-.Ltmp1, $4  }
0x19: {  	s14 =	simm.s32 @!p1 $0x3  }
0x1a: {  	s16 =	sadd.s32 $0x1, s12;
	_ =	swait.ge @!p1 [sflag:s14], $0x2800  }
0x1b: {  	p0 =	por !p0, !p0;
	s13 =	smov.u32 s11;
	[sflag:s14] =	ssyncset.done @!p1 $0x0  }
0x1c: {  	s12 =	smov.u32 s16;
	s11 =	smov.u32 s15;
	[sflag:s14] =	ssyncadd.s32 @!p1 $0xFFFFD800  }
.LBB2_1:
0x1d: {  	p1 =	sge.u32 s12, s8  }
0x1e: {  	s14 =	sxor.u32 @!p1 $0xFFFFFFFF, s12  }
0x1f: {  	s14 =	sand.u32 @!p1 $0x1, s14  }
0x20: {  	s14 =	smul.u32 @!p1 $0x140, s14  }
0x21: {  	s31 =	sadd.s32 $0xFFFFFFFF, s12;
	s15 =	sshrl.u32 @!p1 s11, $0x3  }
0x22: {  	s16 =	sand.u32 @!p1 $0x7, s11;
	s15 =	sadd.s32 @!p1 s5, s15;
	s14 =	sshrl.u32 @!p1 s14, $0x2  }
0x23: {  	[tilespmem:s14], [sflag:$0x2] =	stream.linear.gather @!p1 [hbm4b:s15+s16], $0x50, $0x38;
	[tilespmem:$0x50A0] =	vst v63  }
0x24: {  	p1 =	sge.u32 s31, s8  }
.Ltmp2:
0x25: {  	_ = 	snop;
	(pc) =	sbr.rel @p1 .LBB2_7-.Ltmp2, $1  }
0x26: {  	_ =	sdelay $0x3  }
0x27: {  	s14 =	simm.s32 $0x1  }
0x28: {  	s14 =	simm.s32 @!p0 $0x0  }
0x29: {  	s15 =	smul.u32 $0x140, s14  }
0x2a: {  	_ =	swait.ge [sflag:s7], $0x50  }
0x2b: {  	[sflag:s7] =	ssyncset.done $0x0;
	s16 =	sshrl.u32 s15, $0x2  }
0x2c: {  	[sflag:s7] =	ssyncadd.s32 $0xFFFFFFB0;
	s15 =	sadd.s32 $0x0, s16  }
0x2d: {  	v1 =	vld.msk [tilespmem:s15+$0x0 ss:$0x1], $0xffff;
	_ =	sdelay $0x4  }
0x2e: {  	v2 =	vand.u32 $0x1, v1;
	v3 =	vshll.u32 v1, $0x6  }
0x2f: {  	vm2 =	veq.s32 v1, $0x80000000;
	vm3 =	veq.s32 v2, $0x1;
	v1 =	vand.u32 $0x1FF80, v3  }
0x30: {  	v2 =	vsel vm3, $0x1F400, v0;
	v1 =	vsel vm2, $0xFFFFFF80, v1  }
0x31: {  	v2 =	vsel vm2, $0xFFFE0C00, v2;
	v3 =	vand.u32 $0xFFFFFC00, v1  }
0x32: {  	v1 =	vand.u32 $0x380, v1;
	v2 =	vadd.s32 v2, v3  }
0x33: {  	v1 =	vor.u32 v1, v2  }
0x34: {  	v1 =	vshrl.u32 v1, $0x3  }
0x35: {  	s14 =	smul.u32 $0xA000, s14;
	_ =	sdelay $0x1  }
0x36: {  	s14 =	sshrl.u32 s14, $0x2  }
0x37: {  	s14 =	sor.u32 $0xA0, s14  }
0x38: {  	[tilespmem:s14], [sflag:$0x1] =	stream.indirect_vreg.gather [hbm:s4], $0x80, v1, vm0, $0x38;
	[tilespmem:$0x50A0] =	vst v63  }
0x39: {  	s17 =	sadd.s32 $0x10, s16;
	s15 =	sadd.s32 $0x400, s14  }
0x3a: {  	[tilespmem:s15], [sflag:$0x1] =	stream.indirect_vreg.gather [hbm:s4], $0x80, v1, vm1, $0x38;
	[tilespmem:$0x50A0] =	vst v63  }
0x3b: {  	s18 =	simm.s32 $0x80;
	v1 =	vld.msk [tilespmem:s17+$0x0 ss:$0x1], $0xffff;
	s17 =	smov.u32 s14  }
.LBB2_3:
0x3c: {  	p1 =	sne.s32 s18, $0x100;
	_ =	sdelay $0x4  }
0x3d: {  	v2 =	vand.u32 $0x1, v1;
	v3 =	vshll.u32 v1, $0x6  }
0x3e: {  	vm2 =	veq.s32 v1, $0x80000000;
	vm3 =	veq.s32 v2, $0x1;
	v1 =	vand.u32 $0x1FF80, v3  }
0x3f: {  	v2 =	vsel vm3, $0x1F400, v0;
	v1 =	vsel vm2, $0xFFFFFF80, v1  }
0x40: {  	v2 =	vsel vm2, $0xFFFE0C00, v2;
	v3 =	vand.u32 $0xFFFFFC00, v1  }
0x41: {  	v1 =	vand.u32 $0x380, v1;
	v2 =	vadd.s32 v2, v3  }
0x42: {  	v1 =	vor.u32 v1, v2  }
0x43: {  	v1 =	vshrl.u32 v1, $0x3;
	_ =	sdelay $0x3  }
.Ltmp3:
0x44: {  	s19 =	sshra.s32 s18, $0x2;
	s17 =	sadd.s32 $0x800, s17;
	(pc) =	sbr.rel @p1 .LBB2_3-.Ltmp3, $4  }
0x45: {  	[tilespmem:s17], [sflag:$0x1] =	stream.indirect_vreg.gather [hbm:s4], $0x80, v1, vm0, $0x38;
	[tilespmem:$0x50A0] =	vst v63  }
0x46: {  	s19 =	sadd.s32 s19, s16;
	s20 =	sadd.s32 $0x400, s17  }
0x47: {  	[tilespmem:s20], [sflag:$0x1] =	stream.indirect_vreg.gather [hbm:s4], $0x80, v1, vm1, $0x38;
	[tilespmem:$0x50A0] =	vst v63  }
0x48: {  	s18 =	sadd.s32 $0x40, s18;
	v1 =	vld.msk [tilespmem:s19+$0x0 ss:$0x1], $0xffff  }
0x49: {  	_ =	sdelay $0x3  }
0x4a: {  	v2 =	vand.u32 $0x1, v1;
	v3 =	vshll.u32 v1, $0x6  }
0x4b: {  	vm2 =	veq.s32 v1, $0x80000000;
	vm3 =	veq.s32 v2, $0x1;
	v1 =	vand.u32 $0x1FF80, v3  }
0x4c: {  	v2 =	vsel vm3, $0x1F400, v0;
	v1 =	vsel vm2, $0xFFFFFF80, v1  }
0x4d: {  	v2 =	vsel vm2, $0xFFFE0C00, v2;
	v3 =	vand.u32 $0xFFFFFC00, v1  }
0x4e: {  	v1 =	vand.u32 $0x380, v1;
	v2 =	vadd.s32 v2, v3  }
0x4f: {  	v1 =	vor.u32 v1, v2  }
0x50: {  	v1 =	vshrl.u32 v1, $0x3;
	_ =	sdelay $0x3  }
0x51: {  	s16 =	sadd.s32 $0x800, s17  }
0x52: {  	[tilespmem:s16], [sflag:$0x1] =	stream.indirect_vreg.gather [hbm:s4], $0x80, v1, vm0, $0x38;
	[tilespmem:$0x50A0] =	vst v63  }
0x53: {  	s16 =	sadd.s32 $0x400, s16  }
0x54: {  	[tilespmem:s16], [sflag:$0x1] =	stream.indirect_vreg.gather [hbm:s4], $0x80, v1, vm1, $0x38;
	[tilespmem:$0x50A0] =	vst v63  }
0x55: {  	s13 =	sshll.u32 s13, $0x4;
	_ =	swait.ge [sflag:s6], $0x2800  }
0x56: {  	s13 =	sadd.s32 s13, s9;
	[sflag:s6] =	ssyncset.done $0x0  }
0x57: {  	s17 =	sadd.s32 $0x0, s13;
	s16 =	simm.s32 $0x80;
	[sflag:s6] =	ssyncadd.s32 $0xFFFFD800  }
.LBB2_5:
0x58: {  	[hbm:s17] =	stream.linear.scatter [tilespmem:s14], [sflag:$0x3], $0x400, $0x38;
	[tilespmem:$0x50A0] =	vst v63  }
0x59: {  	s17 =	smov.u32 s16;
	s14 =	smov.u32 s15;
	p1 =	sne.s32 s16, $0x480  }
.Ltmp4:
0x5a: {  	s16 =	sadd.s32 $0x80, s16;
	(pc) =	sbr.rel @p1 .LBB2_5-.Ltmp4, $2  }
0x5b: {  	_ =	sdelay $0x2  }
0x5c: {  	s15 =	sadd.s32 $0x400, s15;
	s17 =	sadd.s32 s17, s13  }
.Ltmp5:
0x5d: {  	_ = 	snop;
	(pc) =	sbr.rel .LBB2_6-.Ltmp5, $1  }
0x5e: {  	_ =	sdelay $0x3  }
.LBB2_8:
0x5f: {  	_ =	sfence.sel $0x180000  }
0x60: {  	s2 =	simm.s32 $0x2;
	[bflag:$0x0] =	sbarrier.arrive $0xFFFF  }
0x61: {  	s30 =	simm.s32 $0x3;
	[sflag:s2] =	ssyncpa.u1 $0x1  }
0x62: {  	s31 =	simm.s32 $0x1;
	[sflag:s30] =	ssyncpa.u1 $0x1  }
0x63: {  	[sflag:s31] =	ssyncpa.u1 $0x1  }
0x64: {  	p0 =	sne.s32 s0, $0x0;
	_ =	strace $0x90000056  }
0x65: {  	s0 =	sadd.s32 @!p0 $0x100000, s1;
	[bflag:$0x2] =	sbarrier.arrive $0xFFFF  }
0x66: {  	[sflag:s0] =	ssyncadd.tile.s32 @!p0 $0x1;
	_ =	shalt  }
.Lfunc_end2:
_tile_overlayer_lowered:
.L_overlay_start_2:
0x67: {  	(tag) =	ssettag $0x2  }
0x68: {  	s0 =	rddreg [dreg:$0x0];
	s2 =	stileid.u32  }
0x69: {  	s1 =	rddreg [dreg:$0x1];
	p0 =	sne.s32 s2, $0x0  }
0x6a: {  	s3 =	rddreg [dreg:$0x2];
	[bflag:$0x3] =	sbarrier.arrive $0xFFFF;
	s2 =	simm.s32 @!p0 $0x1C01  }
0x6b: {  	[timem:s3], [sflag:s2] =	dma.local @!p0 [hbm:s0], s1  }
0x6c: {  	s0 =	simm.s32 @!p0 $0x1  }
0x6d: {  	_ =	swait.ge @!p0 [sflag:s0], s1  }
0x6e: {  	s1 =	ssub.s32 @!p0 $0x0, s1;
	[sflag:s0] =	ssyncset.done @!p0 $0x0  }
0x6f: {  	[sflag:s0] =	ssyncadd.s32 @!p0 s1  }
0x70: {  	[bflag:$0x3] =	sbarrier.arrive $0xFFFF  }
0x71: {  	_ =	shalt  }

// kernel: gather_offload_async_start.5
scs
__scs_entry_jumppad:
0x0: {  	(pc) =	sbr.rel $0x88, $3  }
0x1: {  	(tag) =	ssettag $0x0;
	lr =	simm.s32 $0x1  }
0x2: {  	[smem:$0x3F9D] =	sst lr;
	_ =	strace $0xD0000000  }
0x3: {  	_ = 	snop  }
0x4: {  	_ = 	snop  }
0x5: {  	_ = 	snop  }
0x6: {  	_ = 	snop  }
0x7: {  	_ = 	snop  }
__scs_overlays_trampoline_lowered:
0x8: {  	[smem:$0x3FAC] =	sst s0  }
0x9: {  	[smem:$0x3FAD] =	sst s1  }
0xa: {  	[smem:$0x3FAE] =	sst s2  }
0xb: {  	[smem:$0x3FAF] =	sst s3  }
0xc: {  	[smem:$0x3FB0] =	sst s4  }
0xd: {  	[smem:$0x3FB1] =	sst s5  }
0xe: {  	[smem:$0x3FB2] =	sst s6  }
0xf: {  	[smem:$0x3FB3] =	sst s7  }
0x10: {  	[smem:$0x3FB4] =	sst s8  }
0x11: {  	[smem:$0x3FB5] =	sst s9;
	s0 =	simm.s32 @!p0 $0x0  }
0x12: {  	s1 =	sld [smem:$0x3F9B];
	s0 =	simm.s32 @p0 $0x1  }
0x13: {  	[smem:$0x3FB6] =	sst s0;
	s0 =	simm.s32 @!p1 $0x0  }
0x14: {  	s2 =	sld [smem:$0x3F9A];
	s0 =	simm.s32 @p1 $0x1  }
0x15: {  	[smem:$0x3FB7] =	sst s0;
	s0 =	simm.s32 @!p2 $0x0  }
0x16: {  	s3 =	sld [smem:$0x3FDB];
	s0 =	simm.s32 @p2 $0x1  }
0x17: {  	s4 =	simm.s32 $0x1BF5;
	[smem:$0x3FB9] =	sst s0  }
0x18: {  	s0 =	sld [smem:$0x3F9C];
	_ =	swait.ge [sflag:s4], $0x0  }
0x19: {  	s7 =	sld [smem:$0x3F9D]  }
0x1a: {  	s8 =	sadd.s32 $0xFFFFE003, lr  }
0x1b: {  	s9 =	sadd.s32 $0xFFFFFEF7, lr;
	s5 =	simm.s32 $0xFFFFFFFF;
	p2 =	slt.u32 s8, $0xFFFFF086  }
0x1c: {  	p1 =	slt.u32 s9, $0xF7A;
	s5 =	simm.s32 @!p2 $0x0  }
0x1d: {  	s5 =	simm.s32 @p1 $0x1;
	p0 =	seq.s32 s7, s2  }
0x1e: {  	s7 =	smul.u32 @!p0 $0xF7A, s2;
	p2 =	seq.s32 @!p0 s5, $0x0  }
0x1f: {  	s9 =	smul.u32 $0xF7A, s1;
	s8 =	simm.s32 @!p0 $0x1BF5;
	p2 =	por !p2, p0  }
0x20: {  	[sflag:s8] =	ssyncset.s32 @!p0 $0xFFFFF086;
	s6 =	sadd.s32 @!p0 s3, s7;
	s7 =	simm.s32 @!p0 $0x108  }
0x21: {  	s3 =	sadd.s32 s3, s9;
	s6 =	sadd.s32 @!p0 $0x88, s6;
	s7 =	simm.s32 @p2 $0x1082  }
0x22: {  	[simem:s7], [sflag:s8] =	dma.local @!p0 [hbm:s6], $0xF7A  }
0x23: {  	s9 =	sor.u32 $0xD0000000, s2;
	s6 =	simm.s32 $0x108;
	_ =	swait.ge @!p0 [sflag:s8], $0x0  }
0x24: {  	s3 =	sadd.s32 $0x88, s3;
	s6 =	simm.s32 @!p1 $0x1082;
	[sflag:s4] =	ssyncset.s32 $0xFFFFF086  }
0x25: {  	[simem:s6], [sflag:s4] =	dma.local [hbm:s3], $0xF7A  }
0x26: {  	[smem:$0x3F9D] =	sst s1;
	(tag) =	ssettag s2;
	_ =	strace s9  }
0x27: {  	s1 =	sld [smem:$0x3FAD]  }
0x28: {  	s2 =	sld [smem:$0x3FAE]  }
0x29: {  	s4 =	sld [smem:$0x3FB0]  }
0x2a: {  	p0 =	seq.s32 s5, $0x0;
	s5 =	sld [smem:$0x3FB1]  }
0x2b: {  	s6 =	sld [smem:$0x3FB2]  }
0x2c: {  	s7 =	sld [smem:$0x3FB3]  }
0x2d: {  	s3 =	simm.s32 $0x108;
	s8 =	sld [smem:$0x3FB4]  }
0x2e: {  	s3 =	simm.s32 @!p0 $0x1082;
	s9 =	sld [smem:$0x3FB5]  }
0x2f: {  	lr =	sadd.s32 s0, s3;
	s0 =	sld [smem:$0x3FAC]  }
0x30: {  	s3 =	sld [smem:$0x3FAF]  }
0x31: {  	[smem:$0x3FB8] =	sst s10  }
0x32: {  	s10 =	sld [smem:$0x3FB6];
	_ =	sdelay $0x3  }
0x33: {  	p0 =	seq.s32 s10, $0x1;
	s10 =	sld [smem:$0x3FB8];
	_ =	sdelay $0x3  }
0x34: {  	[smem:$0x3FB8] =	sst s10  }
0x35: {  	s10 =	sld [smem:$0x3FB7];
	_ =	sdelay $0x3  }
0x36: {  	p1 =	seq.s32 s10, $0x1;
	s10 =	sld [smem:$0x3FB8];
	_ =	sdelay $0x3  }
0x37: {  	[smem:$0x3FB8] =	sst s10  }
0x38: {  	s10 =	sld [smem:$0x3FB9]  }
0x39: {  	_ = 	snop;
	(pc) =	sbr.ind lr, $3  }
0x3a: {  	_ = 	snop  }
0x3b: {  	_ = 	snop  }
0x3c: {  	p2 =	seq.s32 s10, $0x1;
	s10 =	sld [smem:$0x3FB8]  }
0x3d: {  	_ =	shalt  }
0x3e: {  	_ =	shalt  }
0x3f: {  	_ =	shalt  }
0x40: {  	_ =	shalt  }
0x41: {  	_ =	shalt  }
0x42: {  	_ =	shalt  }
0x43: {  	_ =	shalt  }
0x44: {  	_ =	shalt  }
0x45: {  	_ =	shalt  }
0x46: {  	_ =	shalt  }
0x47: {  	_ =	shalt  }
0x48: {  	_ =	shalt  }
0x49: {  	_ =	shalt  }
0x4a: {  	_ =	shalt  }
0x4b: {  	_ =	shalt  }
0x4c: {  	_ =	shalt  }
0x4d: {  	_ =	shalt  }
0x4e: {  	_ =	shalt  }
0x4f: {  	_ =	shalt  }
0x50: {  	_ =	shalt  }
0x51: {  	_ =	shalt  }
0x52: {  	_ =	shalt  }
0x53: {  	_ =	shalt  }
0x54: {  	_ =	shalt  }
0x55: {  	_ =	shalt  }
0x56: {  	_ =	shalt  }
0x57: {  	_ =	shalt  }
0x58: {  	_ =	shalt  }
0x59: {  	_ =	shalt  }
0x5a: {  	_ =	shalt  }
0x5b: {  	_ =	shalt  }
0x5c: {  	_ =	shalt  }
0x5d: {  	_ =	shalt  }
0x5e: {  	_ =	shalt  }
0x5f: {  	_ =	shalt  }
0x60: {  	_ =	shalt  }
0x61: {  	_ =	shalt  }
0x62: {  	_ =	shalt  }
0x63: {  	_ =	shalt  }
0x64: {  	_ =	shalt  }
0x65: {  	_ =	shalt  }
0x66: {  	_ =	shalt  }
0x67: {  	_ =	shalt  }
0x68: {  	_ =	shalt  }
0x69: {  	_ =	shalt  }
0x6a: {  	_ =	shalt  }
0x6b: {  	_ =	shalt  }
0x6c: {  	_ =	shalt  }
0x6d: {  	_ =	shalt  }
0x6e: {  	_ =	shalt  }
0x6f: {  	_ =	shalt  }
0x70: {  	_ =	shalt  }
0x71: {  	_ =	shalt  }
0x72: {  	_ =	shalt  }
0x73: {  	_ =	shalt  }
0x74: {  	_ =	shalt  }
0x75: {  	_ =	shalt  }
0x76: {  	_ =	shalt  }
0x77: {  	_ =	shalt  }
0x78: {  	_ =	shalt  }
0x79: {  	_ =	shalt  }
0x7a: {  	_ =	shalt  }
0x7b: {  	_ =	shalt  }
0x7c: {  	_ =	shalt  }
0x7d: {  	_ =	shalt  }
0x7e: {  	_ =	shalt  }
0x7f: {  	_ =	shalt  }
0x80: {  	_ =	shalt  }
0x81: {  	_ =	shalt  }
0x82: {  	_ =	shalt  }
0x83: {  	_ =	shalt  }
0x84: {  	_ =	shalt  }
0x85: {  	_ =	shalt  }
0x86: {  	_ =	shalt  }
0x87: {  	_ =	shalt  }
.Lfunc_end0:
.L_simem_size_0:
called_computation.5_lowered:
.L_overlay_start_0:
0x88: {  	s0 =	sld [smem:$0x3FD9]  }
0x89: {  	s1 =	sld [smem:$0x3FFE];
	_ =	sdelay $0x3  }
0x8a: {  	s0 =	sadd.s32 s1, s0  }
0x8b: {  	[smem:$0x3FC4] =	sst s0  }
0x8c: {  	_ = 	snop  }
0x8d: {  	(tm) =	ssettm $0x1  }
0x8e: {  	s15 =	sld [smem:$0x3FFB];
	_ =	sdelay $0x3  }
0x8f: {  	_ =	strace s15  }
0x90: {  	s0 =	sld [smem:$0x3FFC];
	_ =	sdelay $0x3  }
0x91: {  	_ =	strace s0  }
0x92: {  	s0 =	sld [smem:$0x3FFD];
	_ =	sdelay $0x3  }
0x93: {  	_ =	strace s0  }
0x94: {  	_ =	strace $0x8FFFFFFF  }
0x95: {  	s16 =	sld [smem:$0x3FDB];
	_ =	sdelay $0x1  }
0x96: {  	s17 =	simm.s32 $_scs_section_size  }
0x97: {  	s2 =	simm.s32 $_size__tile_overlayer_lowered;
	s3 =	simm.s32 $_tile_overlayer_lowered  }
0x98: {  	s20 =	simm.s32 $0x1BFF;
	s19 =	sshll.u32 s3, $0x1;
	s0 =	sadd.s32 s17, s16  }
0x99: {  	s4 =	simm.s32 $0x0;
	s18 =	sshll.u32 s2, $0x1;
	s2 =	sadd.s32 s19, s0  }
0x9a: {  	[timem:s4], [sflag:s20] =	dma.local [hbm:s2], s18  }
0x9b: {  	_ =	swait.ge [sflag:s20], s18  }
0x9c: {  	s1 =	ssub.s32 $0x0, s18;
	[sflag:s20] =	ssyncset.done $0x0  }
0x9d: {  	[sflag:s20] =	ssyncadd.s32 s1;
	_ =	sdelay $0x1  }
0x9e: {  	s21 =	simm.s32 $0x1B8B  }
0x9f: {  	_ =	swait.ge [sflag:s21], $0x1  }
0xa0: {  	[sflag:s21] =	ssyncset.done $0x0  }
0xa1: {  	s23 =	simm.s32 $0x1B8E;
	s22 =	sld [smem:$0x3FFE];
	[sflag:s21] =	ssyncadd.s32 $0xFFFFFFFF  }
0xa2: {  	s24 =	simm.s32 $execute0_lowered;
	[smem:$0x3FD2] =	sst s23  }
0xa3: {  	s2 =	sshll.u32 s24, $0x1;
	_ =	strace $0x8000004C;
	[dreg:$0x1] =	wrdreg $0xFFFFFFFF  }
0xa4: {  	s25 =	simm.s32 $_size_execute0_lowered;
	s0 =	sadd.s32 s0, s2;
	[dreg:$0x0] =	wrdreg $0x0  }
0xa5: {  	s2 =	sshll.u32 s25, $0x1;
	[dreg:$0x2] =	wrdreg s0  }
0xa6: {  	[dreg:$0x3] =	wrdreg s2  }
0xa7: {  	[dreg:$0x4] =	wrdreg $0xC0  }
0xa8: {  	_ =	task [dreg:s4], $0x5FFFF  }
0xa9: {  	[dreg:$0x1] =	wrdreg $0xFFFFFFFF  }
0xaa: {  	[dreg:$0x0] =	wrdreg $0x60  }
0xab: {  	[dreg:$0x2] =	wrdreg s22  }
0xac: {  	[dreg:$0x3] =	wrdreg $0x9  }
0xad: {  	_ =	task.clear_ibuf [dreg:s4], $0x4FFFF;
	_ =	strace $0x9000004C  }
0xae: {  	s26 =	simm.s32 $0x9;
	_ =	strace $0x8000004E  }
0xaf: {  	_ =	swait.ge [sflag:s26], $0x1  }
0xb0: {  	[sflag:s26] =	ssyncadd.s32 $0xFFFFFFFF  }
0xb1: {  	_ =	strace $0x9000004E  }
0xb2: {  	_ =	sfence  }
0xb3: {  	s28 =	sld [smem:$0x0];
	_ =	sdelay $0x1  }
0xb4: {  	s29 =	srdreg.scid  }
0xb5: {  	s30 =	sshll.u32 s29, $0xD;
	s31 =	sshrl.u32 s29, $0x2  }
0xb6: {  	s1 =	sand.u32 $0x1, s29;
	s2 =	sand.u32 $0x4000, s30;
	s0 =	sadd.s32 s31, s28  }
0xb7: {  	s1 =	sor.u32 s2, s1;
	s0 =	sshll.u32 s0, $0x11  }
0xb8: {  	s0 =	sor.u32 s0, s1  }
0xb9: {  	s0 =	sadd.s32 $0x8F2B, s0  }
0xba: {  	[sflag:s0] =	ssyncadd.remote.s32 $0x1  }
0xbb: {  	_ =	sfence.sel $0xFFFF  }
0xbc: {  	[dreg:$0x0] =	wrdreg $0xFFFFFFFF;
	(pc) =	sbr.abs _section_cstart, $3  }
0xbd: {  	[dreg:$0x1] =	wrdreg $0xFFFFFFFF  }
0xbe: {  	_ =	task.clear_ibuf [dreg:s4], $0x2FFFF;
	_ =	strace $0x9FFFFFFF  }
0xbf: {  	(tm) =	ssettm $0x7FFFFFFF  }
tec
execute0_lowered:
.L_overlay_start_1:
0x0: {  	(tag) =	ssettag $0x1  }
0x1: {  	s2 =	rddreg [dreg:$0x0]  }
0x2: {  	s0 =	rddreg [dreg:$0x1]  }
0x3: {  	s1 =	stileid.u32;
	_ =	strace $0x8000004D;
	s5 =	simm.s32 $0x1  }
0x4: {  	s6 =	simm.s32 $0x500;
	s8 =	simm.s32 $0x1;
	s9 =	simm.s32 $0x3  }
0x5: {  	s10 =	simm.s32 $0x0;
	s13 =	simm.s32 $0x0;
	s4 =	smul.u32 $0x50, s1  }
0x6: {  	s12 =	simm.s32 $0x0;
	s3 =	sadd.s32 $0x400, s2;
	p0 =	slt.u32 s1, $0xA  }
.Ltmp0:
0x7: {  	s6 =	simm.s32 @!p0 $0x0;
	s7 =	ssub.s32 $0x7D0, s4;
	(pc) =	sbr.rel .LBB2_1-.Ltmp0, $4  }
0x8: {  	s8 =	simm.s32 @!p0 $0x0;
	p0 =	sne.s32 s7, s6;
	s7 =	simm.s32 $0x1  }
0x9: {  	[sflag:s5] =	ssyncpa.u1 $0x0;
	s6 =	simm.s32 $0x2;
	s7 =	simm.s32 @!p0 $0x0  }
0xa: {  	s11 =	smov.u32 s4;
	[sflag:s6] =	ssyncpa.u1 $0x0;
	s7 =	sadd.s32 s8, s7  }
0xb: {  	vm0 =	vmmov $0xffff;
	s8 =	sadd.s32 $0x8400, s2;
	[sflag:s9] =	ssyncpa.u1 $0x0;
	s9 =	sadd.s32 $0x1, s7  }
.LBB2_4:
0xc: {  	v5 =	vld.msk [tilespmem:s18+$0x0 ss:$0x1], $0xffff  }
0xd: {  	v6 =	vand.u32 $0x1, v1;
	v7 =	vshrl.u32 v1, $0x1  }
0xe: {  	v3 =	vor.u32 v4, v3;
	vm1 =	veq.s32 v1, $0x80000000;
	v53 =	vand.u32 $0x3FF, v7  }
0xf: {  	v2 =	vor.u32 v2, v3;
	v54 =	vsel vm1, $0xFFFFFFFF, v6;
	v1 =	vsel vm1, $0xFFFFFFFF, v53  }
0x10: {  	v6 =	vshll.u32 v54, $0x7;
	v3 =	vand.u32 $0xFFFFF800, v54;
	v55 =	vand.u32 $0x7F, v1  }
0x11: {  	v1 =	vshll.u32 v1, $0x1;
	v6 =	vand.u32 $0x80, v6;
	v56 =	vshrl.u32 v5, $0x1  }
0x12: {  	v1 =	vand.u32 $0xFFFFFF00, v1;
	vm1 =	veq.s32 v5, $0x80000000;
	v57 =	vand.u32 $0x3FF, v56  }
0x13: {  	v1 =	vadd.s32 v3, v1;
	v5 =	vand.u32 $0x1, v5;
	v3 =	vsel vm1, $0xFFFFFFFF, v57  }
0x14: {  	v1 =	vor.u32 v6, v1;
	v5 =	vsel vm1, $0xFFFFFFFF, v5;
	v58 =	vshll.u32 v3, $0x1  }
0x15: {  	v59 =	vshll.u32 v5, $0x7;
	v5 =	vand.u32 $0xFFFFF800, v5;
	v6 =	vand.u32 $0xFFFFFF00, v58  }
0x16: {  	v1 =	vor.u32 v55, v1;
	v61 =	vand.u32 $0x80, v59;
	v60 =	vadd.s32 v5, v6  }
0x17: {  	[tilespmem:s16], [sflag:$0x1] =	stream.indirect_vreg.gather [hbm4b:s2+s10], $0x1, v0, vm0, $0x4038;
	v62 =	vand.u32 $0x7F, v3;
	v63 =	vor.u32 v61, v60;
	[tilespmem:$0x140] =	vst v63  }
0x18: {  	(ifvalue) =	ssetifvalue $0x7FFFFFFF;
	v0 =	vor.u32 v62, v63  }
0x19: {  	[tilespmem:s15], [sflag:$0x1] =	stream.indirect_vreg.gather [hbm4b:s2+s10], $0x1, v2, vm0, $0x4038;
	[tilespmem:$0x140] =	vst v63  }
0x1a: {  	s29 =	sadd.s32 $0x10, s15;
	(ifvalue) =	ssetifvalue $0x7FFFFFFF  }
0x1b: {  	[tilespmem:s29], [sflag:$0x1] =	stream.indirect_vreg.gather [hbm4b:s2+s10], $0x1, v1, vm0, $0x4038;
	[tilespmem:$0x140] =	vst v63  }
0x1c: {  	s15 =	sadd.s32 $0x10, s29;
	(ifvalue) =	ssetifvalue $0x7FFFFFFF  }
0x1d: {  	[tilespmem:s15], [sflag:$0x1] =	stream.indirect_vreg.gather [hbm4b:s2+s10], $0x1, v0, vm0, $0x4038;
	[tilespmem:$0x140] =	vst v63  }
0x1e: {  	_ =	swait.ge [sflag:s5], $0x50  }
0x1f: {  	s30 =	sshrl.u32 s13, $0x3;
	[sflag:s5] =	ssyncset.done $0x0  }
0x20: {  	s31 =	sand.u32 $0x7, s13;
	s15 =	sadd.s32 s8, s30;
	[sflag:s5] =	ssyncadd.s32 $0xFFFFFFB0  }
0x21: {  	[hbm4b:s15+s31] =	stream.linear.scatter [tilespmem:s14], [sflag:$0x3], $0x50, $0x38;
	[tilespmem:$0x140] =	vst v63  }
.LBB2_5:
0x22: {  	s15 =	sadd.s32 $0x500, s11  }
0x23: {  	p1 =	sgt.s32 s15, $0x7CF  }
0x24: {  	s15 =	smov.u32 @p1 s4;
	p1 =	sne.s32 s12, s9  }
.Ltmp1:
0x25: {  	p0 =	slt.u32 s12, $0x2;
	(pc) =	sbr.rel @!p1 .LBB2_6-.Ltmp1, $4  }
0x26: {  	s14 =	simm.s32 @!p0 $0x3  }
0x27: {  	_ =	swait.ge @!p0 [sflag:s14], $0x50  }
0x28: {  	s16 =	sadd.s32 $0x1, s12;
	s13 =	smov.u32 s11;
	[sflag:s14] =	ssyncset.done @!p0 $0x0  }
0x29: {  	s12 =	smov.u32 s16;
	s11 =	smov.u32 s15;
	[sflag:s14] =	ssyncadd.s32 @!p0 $0xFFFFFFB0  }
.LBB2_1:
0x2a: {  	p0 =	sge.u32 s12, s7  }
0x2b: {  	s14 =	sxor.u32 @!p0 $0x1, s12  }
0x2c: {  	s14 =	smul.u32 @!p0 $0x140, s14  }
0x2d: {  	s31 =	sadd.s32 $0xFFFFFFFF, s12;
	s15 =	sshrl.u32 @!p0 s11, $0x3  }
0x2e: {  	s16 =	sand.u32 @!p0 $0x7, s11;
	s15 =	sadd.s32 @!p0 s3, s15;
	s14 =	sshra.s32 @!p0 s14, $0x2  }
0x2f: {  	[tilespmem:s14], [sflag:$0x2] =	stream.linear.gather @!p0 [hbm4b:s15+s16], $0x50, $0x38;
	[tilespmem:$0x140] =	vst v63  }
0x30: {  	p0 =	sge.u32 s31, s7  }
.Ltmp2:
0x31: {  	_ = 	snop;
	(pc) =	sbr.rel @p0 .LBB2_5-.Ltmp2, $1  }
0x32: {  	_ =	sdelay $0x3  }
0x33: {  	s14 =	sand.u32 $0x1, s12  }
0x34: {  	_ =	swait.ge [sflag:s6], $0x50;
	p0 =	seq.s32 s14, $0x1;
	s14 =	simm.s32 $0x50  }
0x35: {  	[sflag:s6] =	ssyncset.done $0x0;
	s14 =	simm.s32 @!p0 $0x0  }
0x36: {  	[sflag:s6] =	ssyncadd.s32 $0xFFFFFFB0;
	(ifvalue) =	ssetifvalue $0x7FFFFFFF;
	v0 =	vld.msk [tilespmem:s14+$0x0 ss:$0x1], $0xffff;
	_ =	sdelay $0x4  }
0x37: {  	s15 =	sadd.s32 $0x10, s14;
	v2 =	vshrl.u32 v0, $0x1  }
0x38: {  	v1 =	vld.msk [tilespmem:s15+$0x0 ss:$0x1], $0xffff;
	vm1 =	veq.s32 v0, $0x80000000;
	v2 =	vand.u32 $0x3FF, v2  }
0x39: {  	v0 =	vand.u32 $0x1, v0;
	v2 =	vsel vm1, $0xFFFFFFFF, v2  }
0x3a: {  	v0 =	vsel vm1, $0xFFFFFFFF, v0;
	v3 =	vshll.u32 v2, $0x1  }
0x3b: {  	v4 =	vand.u32 $0xFFFFF800, v0;
	v0 =	vshll.u32 v0, $0x7;
	v3 =	vand.u32 $0xFFFFFF00, v3  }
0x3c: {  	v0 =	vand.u32 $0x80, v0;
	v3 =	vadd.s32 v4, v3  }
0x3d: {  	v2 =	vand.u32 $0x7F, v2;
	v4 =	vshrl.u32 v1, $0x1;
	v0 =	vor.u32 v0, v3  }
0x3e: {  	vm1 =	veq.s32 v1, $0x80000000;
	v4 =	vand.u32 $0x3FF, v4;
	v0 =	vor.u32 v2, v0  }
0x3f: {  	s15 =	sadd.s32 $0x10, s15;
	v1 =	vand.u32 $0x1, v1;
	v3 =	vsel vm1, $0xFFFFFFFF, v4  }
0x40: {  	s14 =	sor.u32 $0xA0, s14;
	v2 =	vsel vm1, $0xFFFFFFFF, v1;
	v1 =	vld.msk [tilespmem:s15+$0x0 ss:$0x1], $0xffff;
	v4 =	vshll.u32 v3, $0x1  }
0x41: {  	s17 =	simm.s32 $0x30;
	s16 =	smov.u32 s14;
	v5 =	vshll.u32 v2, $0x7;
	v6 =	vand.u32 $0xFFFFF800, v2;
	v4 =	vand.u32 $0xFFFFFF00, v4  }
0x42: {  	s18 =	sadd.s32 $0x10, s15;
	(ifvalue) =	ssetifvalue $0x7FFFFFFF;
	s15 =	sadd.s32 $0x10, s14;
	v2 =	vand.u32 $0x7F, v3;
	v3 =	vadd.s32 v6, v4;
	v4 =	vand.u32 $0x80, v5  }
.LBB2_3:
0x43: {  	[tilespmem:s16], [sflag:$0x1] =	stream.indirect_vreg.gather [hbm4b:s2+s10], $0x1, v0, vm0, $0x4038;
	[tilespmem:$0x140] =	vst v63  }
0x44: {  	s17 =	sadd.s32 $0x10, s17  }
0x45: {  	v5 =	vand.u32 $0x1, v1;
	v6 =	vshrl.u32 v1, $0x1;
	v3 =	vor.u32 v4, v3;
	v0 =	vmovc v1;
	v1 =	vld.msk [tilespmem:s18+$0x0 ss:$0x1], $0xffff;
	p0 =	slt.u32 s17, $0x40  }
.Ltmp3:
0x46: {  	s16 =	smov.u32 s15;
	vm1 =	veq.s32 v0, $0x80000000;
	v4 =	vand.u32 $0x3FF, v6;
	v0 =	vor.u32 v2, v3;
	(pc) =	sbr.rel @p0 .LBB2_3-.Ltmp3, $4  }
0x47: {  	v3 =	vsel vm1, $0xFFFFFFFF, v5;
	v4 =	vsel vm1, $0xFFFFFFFF, v4  }
0x48: {  	v2 =	vand.u32 $0x7F, v4;
	v4 =	vshll.u32 v4, $0x1;
	v5 =	vshll.u32 v3, $0x7  }
0x49: {  	v3 =	vand.u32 $0xFFFFF800, v3;
	v4 =	vand.u32 $0xFFFFFF00, v4  }
0x4a: {  	s18 =	sadd.s32 $0x10, s18;
	s15 =	sadd.s32 $0x10, s15;
	v3 =	vadd.s32 v3, v4;
	v4 =	vand.u32 $0x80, v5;
	(ifvalue) =	ssetifvalue $0x7FFFFFFF  }
.Ltmp4:
0x4b: {  	_ = 	snop;
	(pc) =	sbr.rel .LBB2_4-.Ltmp4, $1  }
0x4c: {  	_ =	sdelay $0x3  }
.LBB2_6:
0x4d: {  	_ =	sfence.sel $0x180000  }
0x4e: {  	s2 =	simm.s32 $0x2;
	[bflag:$0x0] =	sbarrier.arrive $0xFFFF  }
0x4f: {  	s30 =	simm.s32 $0x3;
	[sflag:s2] =	ssyncpa.u1 $0x1  }
0x50: {  	s31 =	simm.s32 $0x1;
	[sflag:s30] =	ssyncpa.u1 $0x1  }
0x51: {  	[sflag:s31] =	ssyncpa.u1 $0x1  }
0x52: {  	p0 =	sne.s32 s1, $0x0;
	_ =	strace $0x9000004D  }
0x53: {  	s0 =	sadd.s32 @!p0 $0x100000, s0;
	[bflag:$0x2] =	sbarrier.arrive $0xFFFF  }
0x54: {  	[sflag:s0] =	ssyncadd.tile.s32 @!p0 $0x1;
	_ =	shalt  }
.Lfunc_end2:
_tile_overlayer_lowered:
.L_overlay_start_2:
0x55: {  	(tag) =	ssettag $0x2  }
0x56: {  	s0 =	rddreg [dreg:$0x0];
	s2 =	stileid.u32  }
0x57: {  	s1 =	rddreg [dreg:$0x1];
	p0 =	sne.s32 s2, $0x0  }
0x58: {  	s3 =	rddreg [dreg:$0x2];
	[bflag:$0x3] =	sbarrier.arrive $0xFFFF;
	s2 =	simm.s32 @!p0 $0x1C01  }
0x59: {  	[timem:s3], [sflag:s2] =	dma.local @!p0 [hbm:s0], s1  }
0x5a: {  	s0 =	simm.s32 @!p0 $0x1  }
0x5b: {  	_ =	swait.ge @!p0 [sflag:s0], s1  }
0x5c: {  	s1 =	ssub.s32 @!p0 $0x0, s1;
	[sflag:s0] =	ssyncset.done @!p0 $0x0  }
0x5d: {  	[sflag:s0] =	ssyncadd.s32 @!p0 s1  }
0x5e: {  	[bflag:$0x3] =	sbarrier.arrive $0xFFFF  }
0x5f: {  	_ =	shalt  }

// kernel: gather_offload_async_start
scs
__scs_entry_jumppad:
0x0: {  	(pc) =	sbr.rel $0x88, $3  }
0x1: {  	(tag) =	ssettag $0x0;
	lr =	simm.s32 $0x1  }
0x2: {  	[smem:$0x3F9D] =	sst lr;
	_ =	strace $0xD0000000  }
0x3: {  	_ = 	snop  }
0x4: {  	_ = 	snop  }
0x5: {  	_ = 	snop  }
0x6: {  	_ = 	snop  }
0x7: {  	_ = 	snop  }
__scs_overlays_trampoline_lowered:
0x8: {  	[smem:$0x3FAC] =	sst s0  }
0x9: {  	[smem:$0x3FAD] =	sst s1  }
0xa: {  	[smem:$0x3FAE] =	sst s2  }
0xb: {  	[smem:$0x3FAF] =	sst s3  }
0xc: {  	[smem:$0x3FB0] =	sst s4  }
0xd: {  	[smem:$0x3FB1] =	sst s5  }
0xe: {  	[smem:$0x3FB2] =	sst s6  }
0xf: {  	[smem:$0x3FB3] =	sst s7  }
0x10: {  	[smem:$0x3FB4] =	sst s8  }
0x11: {  	[smem:$0x3FB5] =	sst s9;
	s0 =	simm.s32 @!p0 $0x0  }
0x12: {  	s1 =	sld [smem:$0x3F9B];
	s0 =	simm.s32 @p0 $0x1  }
0x13: {  	[smem:$0x3FB6] =	sst s0;
	s0 =	simm.s32 @!p1 $0x0  }
0x14: {  	s2 =	sld [smem:$0x3F9A];
	s0 =	simm.s32 @p1 $0x1  }
0x15: {  	[smem:$0x3FB7] =	sst s0;
	s0 =	simm.s32 @!p2 $0x0  }
0x16: {  	s3 =	sld [smem:$0x3FDB];
	s0 =	simm.s32 @p2 $0x1  }
0x17: {  	s4 =	simm.s32 $0x1BF5;
	[smem:$0x3FB9] =	sst s0  }
0x18: {  	s0 =	sld [smem:$0x3F9C];
	_ =	swait.ge [sflag:s4], $0x0  }
0x19: {  	s7 =	sld [smem:$0x3F9D]  }
0x1a: {  	s8 =	sadd.s32 $0xFFFFE003, lr  }
0x1b: {  	s9 =	sadd.s32 $0xFFFFFEF7, lr;
	s5 =	simm.s32 $0xFFFFFFFF;
	p2 =	slt.u32 s8, $0xFFFFF086  }
0x1c: {  	p1 =	slt.u32 s9, $0xF7A;
	s5 =	simm.s32 @!p2 $0x0  }
0x1d: {  	s5 =	simm.s32 @p1 $0x1;
	p0 =	seq.s32 s7, s2  }
0x1e: {  	s7 =	smul.u32 @!p0 $0xF7A, s2;
	p2 =	seq.s32 @!p0 s5, $0x0  }
0x1f: {  	s9 =	smul.u32 $0xF7A, s1;
	s8 =	simm.s32 @!p0 $0x1BF5;
	p2 =	por !p2, p0  }
0x20: {  	[sflag:s8] =	ssyncset.s32 @!p0 $0xFFFFF086;
	s6 =	sadd.s32 @!p0 s3, s7;
	s7 =	simm.s32 @!p0 $0x108  }
0x21: {  	s3 =	sadd.s32 s3, s9;
	s6 =	sadd.s32 @!p0 $0x88, s6;
	s7 =	simm.s32 @p2 $0x1082  }
0x22: {  	[simem:s7], [sflag:s8] =	dma.local @!p0 [hbm:s6], $0xF7A  }
0x23: {  	s9 =	sor.u32 $0xD0000000, s2;
	s6 =	simm.s32 $0x108;
	_ =	swait.ge @!p0 [sflag:s8], $0x0  }
0x24: {  	s3 =	sadd.s32 $0x88, s3;
	s6 =	simm.s32 @!p1 $0x1082;
	[sflag:s4] =	ssyncset.s32 $0xFFFFF086  }
0x25: {  	[simem:s6], [sflag:s4] =	dma.local [hbm:s3], $0xF7A  }
0x26: {  	[smem:$0x3F9D] =	sst s1;
	(tag) =	ssettag s2;
	_ =	strace s9  }
0x27: {  	s1 =	sld [smem:$0x3FAD]  }
0x28: {  	s2 =	sld [smem:$0x3FAE]  }
0x29: {  	s4 =	sld [smem:$0x3FB0]  }
0x2a: {  	p0 =	seq.s32 s5, $0x0;
	s5 =	sld [smem:$0x3FB1]  }
0x2b: {  	s6 =	sld [smem:$0x3FB2]  }
0x2c: {  	s7 =	sld [smem:$0x3FB3]  }
0x2d: {  	s3 =	simm.s32 $0x108;
	s8 =	sld [smem:$0x3FB4]  }
0x2e: {  	s3 =	simm.s32 @!p0 $0x1082;
	s9 =	sld [smem:$0x3FB5]  }
0x2f: {  	lr =	sadd.s32 s0, s3;
	s0 =	sld [smem:$0x3FAC]  }
0x30: {  	s3 =	sld [smem:$0x3FAF]  }
0x31: {  	[smem:$0x3FB8] =	sst s10  }
0x32: {  	s10 =	sld [smem:$0x3FB6];
	_ =	sdelay $0x3  }
0x33: {  	p0 =	seq.s32 s10, $0x1;
	s10 =	sld [smem:$0x3FB8];
	_ =	sdelay $0x3  }
0x34: {  	[smem:$0x3FB8] =	sst s10  }
0x35: {  	s10 =	sld [smem:$0x3FB7];
	_ =	sdelay $0x3  }
0x36: {  	p1 =	seq.s32 s10, $0x1;
	s10 =	sld [smem:$0x3FB8];
	_ =	sdelay $0x3  }
0x37: {  	[smem:$0x3FB8] =	sst s10  }
0x38: {  	s10 =	sld [smem:$0x3FB9]  }
0x39: {  	_ = 	snop;
	(pc) =	sbr.ind lr, $3  }
0x3a: {  	_ = 	snop  }
0x3b: {  	_ = 	snop  }
0x3c: {  	p2 =	seq.s32 s10, $0x1;
	s10 =	sld [smem:$0x3FB8]  }
0x3d: {  	_ =	shalt  }
0x3e: {  	_ =	shalt  }
0x3f: {  	_ =	shalt  }
0x40: {  	_ =	shalt  }
0x41: {  	_ =	shalt  }
0x42: {  	_ =	shalt  }
0x43: {  	_ =	shalt  }
0x44: {  	_ =	shalt  }
0x45: {  	_ =	shalt  }
0x46: {  	_ =	shalt  }
0x47: {  	_ =	shalt  }
0x48: {  	_ =	shalt  }
0x49: {  	_ =	shalt  }
0x4a: {  	_ =	shalt  }
0x4b: {  	_ =	shalt  }
0x4c: {  	_ =	shalt  }
0x4d: {  	_ =	shalt  }
0x4e: {  	_ =	shalt  }
0x4f: {  	_ =	shalt  }
0x50: {  	_ =	shalt  }
0x51: {  	_ =	shalt  }
0x52: {  	_ =	shalt  }
0x53: {  	_ =	shalt  }
0x54: {  	_ =	shalt  }
0x55: {  	_ =	shalt  }
0x56: {  	_ =	shalt  }
0x57: {  	_ =	shalt  }
0x58: {  	_ =	shalt  }
0x59: {  	_ =	shalt  }
0x5a: {  	_ =	shalt  }
0x5b: {  	_ =	shalt  }
0x5c: {  	_ =	shalt  }
0x5d: {  	_ =	shalt  }
0x5e: {  	_ =	shalt  }
0x5f: {  	_ =	shalt  }
0x60: {  	_ =	shalt  }
0x61: {  	_ =	shalt  }
0x62: {  	_ =	shalt  }
0x63: {  	_ =	shalt  }
0x64: {  	_ =	shalt  }
0x65: {  	_ =	shalt  }
0x66: {  	_ =	shalt  }
0x67: {  	_ =	shalt  }
0x68: {  	_ =	shalt  }
0x69: {  	_ =	shalt  }
0x6a: {  	_ =	shalt  }
0x6b: {  	_ =	shalt  }
0x6c: {  	_ =	shalt  }
0x6d: {  	_ =	shalt  }
0x6e: {  	_ =	shalt  }
0x6f: {  	_ =	shalt  }
0x70: {  	_ =	shalt  }
0x71: {  	_ =	shalt  }
0x72: {  	_ =	shalt  }
0x73: {  	_ =	shalt  }
0x74: {  	_ =	shalt  }
0x75: {  	_ =	shalt  }
0x76: {  	_ =	shalt  }
0x77: {  	_ =	shalt  }
0x78: {  	_ =	shalt  }
0x79: {  	_ =	shalt  }
0x7a: {  	_ =	shalt  }
0x7b: {  	_ =	shalt  }
0x7c: {  	_ =	shalt  }
0x7d: {  	_ =	shalt  }
0x7e: {  	_ =	shalt  }
0x7f: {  	_ =	shalt  }
0x80: {  	_ =	shalt  }
0x81: {  	_ =	shalt  }
0x82: {  	_ =	shalt  }
0x83: {  	_ =	shalt  }
0x84: {  	_ =	shalt  }
0x85: {  	_ =	shalt  }
0x86: {  	_ =	shalt  }
0x87: {  	_ =	shalt  }
.Lfunc_end0:
.L_simem_size_0:
called_computation_lowered:
.L_overlay_start_0:
0x88: {  	s0 =	sld [smem:$0x3FD9]  }
0x89: {  	s1 =	sld [smem:$0x3FFE];
	_ =	sdelay $0x3  }
0x8a: {  	s0 =	sadd.s32 s1, s0  }
0x8b: {  	[smem:$0x3FC4] =	sst s0  }
0x8c: {  	_ = 	snop  }
0x8d: {  	(tm) =	ssettm $0x1  }
0x8e: {  	s15 =	sld [smem:$0x3FFB];
	_ =	sdelay $0x3  }
0x8f: {  	_ =	strace s15  }
0x90: {  	s0 =	sld [smem:$0x3FFC];
	_ =	sdelay $0x3  }
0x91: {  	_ =	strace s0  }
0x92: {  	s0 =	sld [smem:$0x3FFD];
	_ =	sdelay $0x3  }
0x93: {  	_ =	strace s0  }
0x94: {  	_ =	strace $0x8FFFFFFF  }
0x95: {  	s16 =	sld [smem:$0x3FDB];
	_ =	sdelay $0x1  }
0x96: {  	s17 =	simm.s32 $_scs_section_size  }
0x97: {  	s2 =	simm.s32 $_size__tile_overlayer_lowered;
	s3 =	simm.s32 $_tile_overlayer_lowered  }
0x98: {  	s20 =	simm.s32 $0x1BFF;
	s19 =	sshll.u32 s3, $0x1;
	s0 =	sadd.s32 s17, s16  }
0x99: {  	s4 =	simm.s32 $0x0;
	s18 =	sshll.u32 s2, $0x1;
	s2 =	sadd.s32 s19, s0  }
0x9a: {  	[timem:s4], [sflag:s20] =	dma.local [hbm:s2], s18  }
0x9b: {  	_ =	swait.ge [sflag:s20], s18  }
0x9c: {  	s1 =	ssub.s32 $0x0, s18;
	[sflag:s20] =	ssyncset.done $0x0  }
0x9d: {  	[sflag:s20] =	ssyncadd.s32 s1;
	_ =	sdelay $0x1  }
0x9e: {  	s21 =	simm.s32 $0x1B8B  }
0x9f: {  	_ =	swait.ge [sflag:s21], $0x1  }
0xa0: {  	[sflag:s21] =	ssyncset.done $0x0  }
0xa1: {  	s23 =	simm.s32 $0x1B8E;
	s22 =	sld [smem:$0x3FFE];
	[sflag:s21] =	ssyncadd.s32 $0xFFFFFFFF  }
0xa2: {  	s24 =	simm.s32 $execute0_lowered;
	[smem:$0x3FD2] =	sst s23  }
0xa3: {  	s2 =	sshll.u32 s24, $0x1;
	_ =	strace $0x80000046;
	[dreg:$0x1] =	wrdreg $0xFFFFFFFF  }
0xa4: {  	s25 =	simm.s32 $_size_execute0_lowered;
	s0 =	sadd.s32 s0, s2;
	[dreg:$0x0] =	wrdreg $0x0  }
0xa5: {  	s2 =	sshll.u32 s25, $0x1;
	[dreg:$0x2] =	wrdreg s0  }
0xa6: {  	[dreg:$0x3] =	wrdreg s2  }
0xa7: {  	[dreg:$0x4] =	wrdreg $0xC0  }
0xa8: {  	_ =	task [dreg:s4], $0x5FFFF  }
0xa9: {  	[dreg:$0x1] =	wrdreg $0xFFFFFFFF  }
0xaa: {  	[dreg:$0x0] =	wrdreg $0x60  }
0xab: {  	[dreg:$0x2] =	wrdreg s22  }
0xac: {  	[dreg:$0x3] =	wrdreg $0x9  }
0xad: {  	_ =	task.clear_ibuf [dreg:s4], $0x4FFFF;
	_ =	strace $0x90000046  }
0xae: {  	s26 =	simm.s32 $0x9;
	_ =	strace $0x80000048  }
0xaf: {  	_ =	swait.ge [sflag:s26], $0x1  }
0xb0: {  	[sflag:s26] =	ssyncadd.s32 $0xFFFFFFFF  }
0xb1: {  	_ =	strace $0x90000048  }
0xb2: {  	_ =	sfence  }
0xb3: {  	s28 =	sld [smem:$0x0];
	_ =	sdelay $0x1  }
0xb4: {  	s29 =	srdreg.scid  }
0xb5: {  	s30 =	sshll.u32 s29, $0xD;
	s31 =	sshrl.u32 s29, $0x2  }
0xb6: {  	s1 =	sand.u32 $0x1, s29;
	s2 =	sand.u32 $0x4000, s30;
	s0 =	sadd.s32 s31, s28  }
0xb7: {  	s1 =	sor.u32 s2, s1;
	s0 =	sshll.u32 s0, $0x11  }
0xb8: {  	s0 =	sor.u32 s0, s1  }
0xb9: {  	s0 =	sadd.s32 $0x8F2B, s0  }
0xba: {  	[sflag:s0] =	ssyncadd.remote.s32 $0x1  }
0xbb: {  	_ =	sfence.sel $0xFFFF  }
0xbc: {  	[dreg:$0x0] =	wrdreg $0xFFFFFFFF;
	(pc) =	sbr.abs _section_cstart, $3  }
0xbd: {  	[dreg:$0x1] =	wrdreg $0xFFFFFFFF  }
0xbe: {  	_ =	task.clear_ibuf [dreg:s4], $0x2FFFF;
	_ =	strace $0x9FFFFFFF  }
0xbf: {  	(tm) =	ssettm $0x7FFFFFFF  }
tec
execute0_lowered:
.L_overlay_start_1:
0x0: {  	(tag) =	ssettag $0x1  }
0x1: {  	s0 =	stileid.u32  }
0x2: {  	s1 =	smin.u32 s0, $0x9  }
0x3: {  	s1 =	sadd.s32 s0, s1  }
0x4: {  	p0 =	slt.u32 s0, $0x9;
	s2 =	smul.u32 $0x50, s1;
	s1 =	simm.s32 $0xA0  }
0x5: {  	s1 =	simm.s32 @!p0 $0x50  }
0x6: {  	s1 =	sadd.s32 s1, s2  }
0x7: {  	s3 =	smin.u32 s1, $0x7D0  }
0x8: {  	s7 =	ssub.s32 s3, s2  }
0x9: {  	p0 =	sgt.s32 s7, $0x0  }
0xa: {  	s7 =	simm.s32 @!p0 $0x0  }
0xb: {  	s31 =	smul.u32 $0xCCCD, s7  }
0xc: {  	s9 =	rddreg [dreg:$0x0];
	s6 =	simm.s32 $0x1;
	s11 =	simm.s32 $0x3  }
0xd: {  	s13 =	simm.s32 $0x0;
	s12 =	simm.s32 $0x0;
	s8 =	sshrl.u32 s31, $0x16  }
0xe: {  	s4 =	sadd.s32 $0x400, s9;
	s5 =	sadd.s32 $0x200, s9;
	s10 =	smul.u32 $0x50, s8  }
.Ltmp0:
0xf: {  	s9 =	sadd.s32 $0x4E600, s9;
	s1 =	rddreg [dreg:$0x1];
	(pc) =	sbr.rel .LBB2_1-.Ltmp0, $4  }
0x10: {  	_ =	strace $0x80000047;
	p0 =	sne.s32 s7, s10;
	s10 =	simm.s32 $0x1  }
0x11: {  	[sflag:s6] =	ssyncpa.u1 $0x0;
	s7 =	simm.s32 $0x2;
	s10 =	simm.s32 @!p0 $0x0  }
0x12: {  	[sflag:s7] =	ssyncpa.u1 $0x0;
	p0 =	por $0x0, $0x0;
	s8 =	sadd.s32 s8, s10  }
0x13: {  	vm0 =	vmmov $0xff;
	vm1 =	vcmask $0x3F20;
	[sflag:s11] =	ssyncpa.u1 $0x0;
	s11 =	smov.u32 s2;
	s10 =	sadd.s32 $0x1, s8  }
.LBB2_6:
0x14: {  	[hbm:s17] =	stream.linear.scatter [tilespmem:s14], [sflag:$0x3], $0x400, $0x38;
	[tilespmem:$0x50A0] =	vst v63  }
.LBB2_7:
0x15: {  	s13 =	sadd.s32 $0x50, s11  }
0x16: {  	s15 =	smov.u32 s2;
	p2 =	slt.s32 s13, s3  }
0x17: {  	s15 =	smov.u32 @p2 s13;
	p2 =	sne.s32 s12, s10  }
.Ltmp1:
0x18: {  	p1 =	slt.u32 s12, $0x2;
	(pc) =	sbr.rel @!p2 .LBB2_8-.Ltmp1, $4  }
0x19: {  	s14 =	simm.s32 @!p1 $0x3  }
0x1a: {  	s16 =	sadd.s32 $0x1, s12;
	_ =	swait.ge @!p1 [sflag:s14], $0x2800  }
0x1b: {  	p0 =	por !p0, !p0;
	s13 =	smov.u32 s11;
	[sflag:s14] =	ssyncset.done @!p1 $0x0  }
0x1c: {  	s12 =	smov.u32 s16;
	s11 =	smov.u32 s15;
	[sflag:s14] =	ssyncadd.s32 @!p1 $0xFFFFD800  }
.LBB2_1:
0x1d: {  	p1 =	sge.u32 s12, s8  }
0x1e: {  	s14 =	sxor.u32 @!p1 $0xFFFFFFFF, s12  }
0x1f: {  	s14 =	sand.u32 @!p1 $0x1, s14  }
0x20: {  	s14 =	smul.u32 @!p1 $0x140, s14  }
0x21: {  	s31 =	sadd.s32 $0xFFFFFFFF, s12;
	s15 =	sshrl.u32 @!p1 s11, $0x3  }
0x22: {  	s16 =	sand.u32 @!p1 $0x7, s11;
	s15 =	sadd.s32 @!p1 s5, s15;
	s14 =	sshrl.u32 @!p1 s14, $0x2  }
0x23: {  	[tilespmem:s14], [sflag:$0x2] =	stream.linear.gather @!p1 [hbm4b:s15+s16], $0x50, $0x38;
	[tilespmem:$0x50A0] =	vst v63  }
0x24: {  	p1 =	sge.u32 s31, s8  }
.Ltmp2:
0x25: {  	_ = 	snop;
	(pc) =	sbr.rel @p1 .LBB2_7-.Ltmp2, $1  }
0x26: {  	_ =	sdelay $0x3  }
0x27: {  	s14 =	simm.s32 $0x1  }
0x28: {  	s14 =	simm.s32 @!p0 $0x0  }
0x29: {  	s15 =	smul.u32 $0x140, s14  }
0x2a: {  	_ =	swait.ge [sflag:s7], $0x50  }
0x2b: {  	[sflag:s7] =	ssyncset.done $0x0;
	s16 =	sshrl.u32 s15, $0x2  }
0x2c: {  	[sflag:s7] =	ssyncadd.s32 $0xFFFFFFB0;
	s15 =	sadd.s32 $0x0, s16  }
0x2d: {  	v0 =	vld.msk [tilespmem:s15+$0x0 ss:$0x1], $0xffff;
	_ =	sdelay $0x4  }
0x2e: {  	vm2 =	vgt.s32 v0, $0x0  }
0x2f: {  	v0 =	vnsel vm2, $0x0, v0  }
0x30: {  	v0 =	vmin.u32 v0, $0x4E1F  }
0x31: {  	v0 =	vshll.u32 v0, $0x4  }
0x32: {  	s14 =	smul.u32 $0xA000, s14;
	_ =	sdelay $0x1  }
0x33: {  	s14 =	sshrl.u32 s14, $0x2  }
0x34: {  	s14 =	sor.u32 $0xA0, s14  }
0x35: {  	[tilespmem:s14], [sflag:$0x1] =	stream.indirect_vreg.gather [hbm:s4], $0x80, v0, vm0, $0x38;
	[tilespmem:$0x50A0] =	vst v63  }
0x36: {  	s17 =	sadd.s32 $0x10, s16;
	s15 =	sadd.s32 $0x400, s14  }
0x37: {  	[tilespmem:s15], [sflag:$0x1] =	stream.indirect_vreg.gather [hbm:s4], $0x80, v0, vm1, $0x38;
	[tilespmem:$0x50A0] =	vst v63  }
0x38: {  	s18 =	simm.s32 $0x80;
	v0 =	vld.msk [tilespmem:s17+$0x0 ss:$0x1], $0xffff;
	s17 =	smov.u32 s14  }
.LBB2_3:
0x39: {  	p1 =	sne.s32 s18, $0x100;
	_ =	sdelay $0x4  }
0x3a: {  	vm2 =	vgt.s32 v0, $0x0  }
0x3b: {  	v0 =	vnsel vm2, $0x0, v0  }
0x3c: {  	v0 =	vmin.u32 v0, $0x4E1F  }
0x3d: {  	v0 =	vshll.u32 v0, $0x4;
	_ =	sdelay $0x3  }
.Ltmp3:
0x3e: {  	s19 =	sshra.s32 s18, $0x2;
	s17 =	sadd.s32 $0x800, s17;
	(pc) =	sbr.rel @p1 .LBB2_3-.Ltmp3, $4  }
0x3f: {  	[tilespmem:s17], [sflag:$0x1] =	stream.indirect_vreg.gather [hbm:s4], $0x80, v0, vm0, $0x38;
	[tilespmem:$0x50A0] =	vst v63  }
0x40: {  	s19 =	sadd.s32 s19, s16;
	s20 =	sadd.s32 $0x400, s17  }
0x41: {  	[tilespmem:s20], [sflag:$0x1] =	stream.indirect_vreg.gather [hbm:s4], $0x80, v0, vm1, $0x38;
	[tilespmem:$0x50A0] =	vst v63  }
0x42: {  	s18 =	sadd.s32 $0x40, s18;
	v0 =	vld.msk [tilespmem:s19+$0x0 ss:$0x1], $0xffff  }
0x43: {  	_ =	sdelay $0x3  }
0x44: {  	vm2 =	vgt.s32 v0, $0x0  }
0x45: {  	v0 =	vnsel vm2, $0x0, v0  }
0x46: {  	v0 =	vmin.u32 v0, $0x4E1F  }
0x47: {  	v0 =	vshll.u32 v0, $0x4;
	_ =	sdelay $0x3  }
0x48: {  	s16 =	sadd.s32 $0x800, s17  }
0x49: {  	[tilespmem:s16], [sflag:$0x1] =	stream.indirect_vreg.gather [hbm:s4], $0x80, v0, vm0, $0x38;
	[tilespmem:$0x50A0] =	vst v63  }
0x4a: {  	s16 =	sadd.s32 $0x400, s16  }
0x4b: {  	[tilespmem:s16], [sflag:$0x1] =	stream.indirect_vreg.gather [hbm:s4], $0x80, v0, vm1, $0x38;
	[tilespmem:$0x50A0] =	vst v63  }
0x4c: {  	s13 =	sshll.u32 s13, $0x4;
	_ =	swait.ge [sflag:s6], $0x2800  }
0x4d: {  	s13 =	sadd.s32 s13, s9;
	[sflag:s6] =	ssyncset.done $0x0  }
0x4e: {  	s17 =	sadd.s32 $0x0, s13;
	s16 =	simm.s32 $0x80;
	[sflag:s6] =	ssyncadd.s32 $0xFFFFD800  }
.LBB2_5:
0x4f: {  	[hbm:s17] =	stream.linear.scatter [tilespmem:s14], [sflag:$0x3], $0x400, $0x38;
	[tilespmem:$0x50A0] =	vst v63  }
0x50: {  	s17 =	smov.u32 s16;
	s14 =	smov.u32 s15;
	p1 =	sne.s32 s16, $0x480  }
.Ltmp4:
0x51: {  	s16 =	sadd.s32 $0x80, s16;
	(pc) =	sbr.rel @p1 .LBB2_5-.Ltmp4, $2  }
0x52: {  	_ =	sdelay $0x2  }
0x53: {  	s15 =	sadd.s32 $0x400, s15;
	s17 =	sadd.s32 s17, s13  }
.Ltmp5:
0x54: {  	_ = 	snop;
	(pc) =	sbr.rel .LBB2_6-.Ltmp5, $1  }
0x55: {  	_ =	sdelay $0x3  }
.LBB2_8:
0x56: {  	_ =	sfence.sel $0x180000  }
0x57: {  	s2 =	simm.s32 $0x2;
	[bflag:$0x0] =	sbarrier.arrive $0xFFFF  }
0x58: {  	s30 =	simm.s32 $0x3;
	[sflag:s2] =	ssyncpa.u1 $0x1  }
0x59: {  	s31 =	simm.s32 $0x1;
	[sflag:s30] =	ssyncpa.u1 $0x1  }
0x5a: {  	[sflag:s31] =	ssyncpa.u1 $0x1  }
0x5b: {  	p0 =	sne.s32 s0, $0x0;
	_ =	strace $0x90000047  }
0x5c: {  	s0 =	sadd.s32 @!p0 $0x100000, s1;
	[bflag:$0x2] =	sbarrier.arrive $0xFFFF  }
0x5d: {  	[sflag:s0] =	ssyncadd.tile.s32 @!p0 $0x1;
	_ =	shalt  }
.Lfunc_end2:
_tile_overlayer_lowered:
.L_overlay_start_2:
0x5e: {  	(tag) =	ssettag $0x2  }
0x5f: {  	s0 =	rddreg [dreg:$0x0];
	s2 =	stileid.u32  }
0x60: {  	s1 =	rddreg [dreg:$0x1];
	p0 =	sne.s32 s2, $0x0  }
0x61: {  	s3 =	rddreg [dreg:$0x2];
	[bflag:$0x3] =	sbarrier.arrive $0xFFFF;
	s2 =	simm.s32 @!p0 $0x1C01  }
0x62: {  	[timem:s3], [sflag:s2] =	dma.local @!p0 [hbm:s0], s1  }
0x63: {  	s0 =	simm.s32 @!p0 $0x1  }
0x64: {  	_ =	swait.ge @!p0 [sflag:s0], s1  }
0x65: {  	s1 =	ssub.s32 @!p0 $0x0, s1;
	[sflag:s0] =	ssyncset.done @!p0 $0x0  }
0x66: {  	[sflag:s0] =	ssyncadd.s32 @!p0 s1  }
0x67: {  	[bflag:$0x3] =	sbarrier.arrive $0xFFFF  }
0x68: {  	_ =	shalt  }

</sc_bundles>
